<compile_context>
chip_gen: v7x
topology: tpu7x:2x2x1
jax: 0.10.2.dev20260603
libtpu: 0.0.44.dev20260713+nightly
codegen_flags: <defaults>
</compile_context>

<pallas_src>
import functools

import jax
import jax.numpy as jnp
from jax import lax
from jax.experimental import pallas as pl
from jax.experimental.pallas import tpu as pltpu
from jax.experimental.pallas import tpu_sc as plsc

N = 10000
E = 320000
IN_CH = 128
HIDDEN = 256
OUT_CH = 128

NC = 2
NS = 16
NW = NC * NS
NP = 10240
EW = 10240
EPAD = NW * EW
RPT = NP // NS

D1 = 136


def _make_segsum(D, B, NBUF):
    S = EW // B
    assert S * B == EW and S % NBUF == 0
    mesh = plsc.VectorSubcoreMesh(core_axis_name="c", subcore_axis_name="s")

    @functools.partial(
        pl.kernel,
        mesh=mesh,
        out_type=jax.ShapeDtypeStruct((NC, NP, D), jnp.float32),
        scratch_types=[
            pltpu.VMEM((S, B), jnp.int32),
            pltpu.VMEM((S, B), jnp.int32),
            [pltpu.VMEM((B, D), jnp.float32) for _ in range(NBUF)],
            pltpu.VMEM_SHARED((NP, D), jnp.float32),
            [pltpu.SemaphoreType.DMA for _ in range(NBUF)],
        ],
        compiler_params=pltpu.CompilerParams(use_tc_tiling_on_sc=False),
    )
    def seg(f_hbm, src_hbm, dst_hbm, zeros_hbm, out_hbm,
            src_v, dst_v, rows_v, acc_sh, sems):
        c = lax.axis_index("c")
        s = lax.axis_index("s")
        w = c * NS + s

        pltpu.sync_copy(src_hbm.at[w], src_v)
        pltpu.sync_copy(dst_hbm.at[w], dst_v)

        pltpu.sync_copy(zeros_hbm.at[pl.ds(s * RPT, RPT)],
                        acc_sh.at[pl.ds(s * RPT, RPT)])
        plsc.subcore_barrier()

        for b in range(NBUF):
            pltpu.async_copy(f_hbm.at[src_v.at[b]], rows_v[b], sems[b])

        def body(i, carry):
            for b in range(NBUF):
                j = NBUF * i + b
                pltpu.make_async_copy(f_hbm.at[src_v.at[j]], rows_v[b],
                                      sems[b]).wait()
                pltpu.sync_copy(rows_v[b], acc_sh.at[dst_v.at[j]],
                                add=True)
                jn = jnp.minimum(j + NBUF, S - 1)

                @pl.when(j + NBUF < S)
                def _():
                    pltpu.async_copy(f_hbm.at[src_v.at[jn]], rows_v[b],
                                     sems[b])
            return carry

        lax.fori_loop(0, S // NBUF, body, 0)
        plsc.subcore_barrier()

        pltpu.sync_copy(acc_sh.at[pl.ds(s * RPT, RPT)],
                        out_hbm.at[c, pl.ds(s * RPT, RPT)])

    return seg


_segsum_l1 = _make_segsum(D1, 40, 4)
_segsum_l2 = _make_segsum(OUT_CH, 40, 4)



_BN1 = 2048


def _tc1_body(p_ref, x_ref, wl1_ref, wr1_ref, b1_ref, wl2_ref, wr2_ref,
              b2_ref, y2_ref, r2_ref, inv_ref):
    acc = p_ref[0] + p_ref[1]
    inv = 1.0 / jnp.maximum(acc[:, IN_CH:IN_CH + 1], 1.0)
    agg = acc[:, :IN_CH] * inv
    h = jnp.maximum(
        jnp.dot(agg, wl1_ref[...], preferred_element_type=jnp.float32)
        + jnp.dot(x_ref[...], wr1_ref[...], preferred_element_type=jnp.float32)
        + b1_ref[...], 0.0)
    y2_ref[...] = jnp.dot(h, wl2_ref[...], preferred_element_type=jnp.float32)
    r2_ref[...] = (jnp.dot(h, wr2_ref[...], preferred_element_type=jnp.float32)
                   + b2_ref[...])
    inv_ref[...] = inv


def _tc1(p1, x, wl1, wr1, b1, wl2, wr2, b2):
    g = NP // _BN1
    return pl.pallas_call(
        _tc1_body,
        grid=(g,),
        in_specs=[
            pl.BlockSpec((NC, _BN1, D1), lambda i: (0, i, 0)),
            pl.BlockSpec((_BN1, IN_CH), lambda i: (i, 0)),
            pl.BlockSpec((IN_CH, HIDDEN), lambda i: (0, 0)),
            pl.BlockSpec((IN_CH, HIDDEN), lambda i: (0, 0)),
            pl.BlockSpec((1, HIDDEN), lambda i: (0, 0)),
            pl.BlockSpec((HIDDEN, OUT_CH), lambda i: (0, 0)),
            pl.BlockSpec((HIDDEN, OUT_CH), lambda i: (0, 0)),
            pl.BlockSpec((1, OUT_CH), lambda i: (0, 0)),
        ],
        out_specs=[
            pl.BlockSpec((_BN1, OUT_CH), lambda i: (i, 0)),
            pl.BlockSpec((_BN1, OUT_CH), lambda i: (i, 0)),
            pl.BlockSpec((_BN1, 1), lambda i: (i, 0)),
        ],
        out_shape=[
            jax.ShapeDtypeStruct((NP, OUT_CH), jnp.float32),
            jax.ShapeDtypeStruct((NP, OUT_CH), jnp.float32),
            jax.ShapeDtypeStruct((NP, 1), jnp.float32),
        ],
    )(p1, x, wl1, wr1, b1, wl2, wr2, b2)


_BN2 = 2000


def _tc2_body(p_ref, r2_ref, inv_ref, z_ref):
    z_ref[...] = (p_ref[0] + p_ref[1]) * inv_ref[...] + r2_ref[...]


def _tc2(p2, r2, inv):
    g = N // _BN2
    return pl.pallas_call(
        _tc2_body,
        grid=(g,),
        in_specs=[
            pl.BlockSpec((NC, _BN2, OUT_CH), lambda i: (0, i, 0)),
            pl.BlockSpec((_BN2, OUT_CH), lambda i: (i, 0)),
            pl.BlockSpec((_BN2, 1), lambda i: (i, 0)),
        ],
        out_specs=pl.BlockSpec((_BN2, OUT_CH), lambda i: (i, 0)),
        out_shape=jax.ShapeDtypeStruct((N, OUT_CH), jnp.float32),
    )(p2, r2, inv)


def kernel(x, edge_index, Wl1, Wr1, b1, Wl2, Wr2, b2):
    npad = EPAD - E
    fill = (N + (jnp.arange(npad, dtype=jnp.int32) % (NP - N)))
    src = jnp.concatenate([edge_index[0], fill])
    dst = jnp.concatenate([edge_index[1], fill])
    src1 = src.reshape(NW, EW // 40, 40)
    dst1 = dst.reshape(NW, EW // 40, 40)

    x_pad = jnp.pad(x, ((0, NP - N), (0, 0)))
    ones_col = jnp.pad(jnp.ones((N, 1), jnp.float32), ((0, NP - N), (0, 0)))
    x_aug = jnp.concatenate(
        [x_pad, ones_col, jnp.zeros((NP, D1 - IN_CH - 1), jnp.float32)],
        axis=1)
    zeros1 = jnp.zeros((NP, D1), jnp.float32)
    p1 = _segsum_l1(x_aug, src1, dst1, zeros1)

    y2, r2, inv = _tc1(p1, x_pad, Wl1, Wr1, b1.reshape(1, HIDDEN),
                       Wl2, Wr2, b2.reshape(1, OUT_CH))

    zeros2 = jnp.zeros((NP, OUT_CH), jnp.float32)
    p2 = _segsum_l2(y2, src1, dst1, zeros2)

    return _tc2(p2, r2, inv)

# --- scband reference (transcript-rebuilt; emitter-appended) ---
"""Pipeline reference for scband-net-28836410425760 (READ-ONLY COPY).

The authoritative reference and input builder live on the scoring server;
editing this copy changes nothing except your own understanding.
"""

import jax, jax.numpy as jnp
import numpy as np

N_NODES = 10000
N_EDGES = 320000
IN_CH = 128
HIDDEN = 256
OUT_CH = 128


def setup_inputs(seed: int = 0) -> dict:
    key = jax.random.key(seed)
    ks = jax.random.split(key, 8)
    x = jax.random.normal(ks[0], (N_NODES, IN_CH), dtype=jnp.float32)
    edge_index = jax.random.randint(ks[1], (2, N_EDGES), 0, N_NODES, dtype=jnp.int64 if jax.config.read('jax_enable_x64') else jnp.int32).astype(jnp.int32)
    # SAGEConv layer 1: in_channels -> hidden_dim (lin_l applied to aggregated neighbors, lin_r to self)
    Wl1 = jax.random.normal(ks[2], (IN_CH, HIDDEN), dtype=jnp.float32) * (1.0 / np.sqrt(IN_CH))
    Wr1 = jax.random.normal(ks[3], (IN_CH, HIDDEN), dtype=jnp.float32) * (1.0 / np.sqrt(IN_CH))
    b1 = jnp.zeros((HIDDEN,), dtype=jnp.float32)
    # SAGEConv layer 2: hidden_dim -> out_channels
    Wl2 = jax.random.normal(ks[4], (HIDDEN, OUT_CH), dtype=jnp.float32) * (1.0 / np.sqrt(HIDDEN))
    Wr2 = jax.random.normal(ks[5], (HIDDEN, OUT_CH), dtype=jnp.float32) * (1.0 / np.sqrt(HIDDEN))
    b2 = jnp.zeros((OUT_CH,), dtype=jnp.float32)
    return {"x": x, "edge_index": edge_index, "Wl1": Wl1, "Wr1": Wr1, "b1": b1, "Wl2": Wl2, "Wr2": Wr2, "b2": b2}


def reference(x, edge_index, Wl1, Wr1, b1, Wl2, Wr2, b2):
    # Net.encode with base_model='GraphSAGE' (mean aggregation), eval mode (dropout = identity)
    src = edge_index[0]
    dst = edge_index[1]
    n = x.shape[0]
    deg = jax.ops.segment_sum(jnp.ones_like(dst, dtype=jnp.float32), dst, num_segments=n)
    deg = jnp.maximum(deg, 1.0)

    def sage_conv(h, Wl, Wr, b):
        msgs = h[src]  # gather source node features per edge
        agg = jax.ops.segment_sum(msgs, dst, num_segments=n) / deg[:, None]  # mean aggregation
        return agg @ Wl + h @ Wr + b

    h = jax.nn.relu(sage_conv(x, Wl1, Wr1, b1))
    # F.dropout with training=False is identity
    z = sage_conv(h, Wl2, Wr2, b2)
    return z

if __name__ == "__main__":
    import jax
    _d = setup_inputs()
    print(jax.jit(kernel)(*tuple(_d.values())))

</pallas_src>

<mosaic_0001>
#map = affine_map<(d0, d1) -> (0, 0)>
#map1 = affine_map<(d0, d1) -> (0, 0, 0)>
module attributes {stable_mosaic.version = 14 : i64} {
  func.func @seg(%arg0: i32, %arg1: i32, %arg2: memref<10240x128xf32, #tpu.memory_space<hbm>>, %arg3: memref<32x256x40xi32, #tpu.memory_space<hbm>>, %arg4: memref<32x256x40xi32, #tpu.memory_space<hbm>>, %arg5: memref<10240x128xf32, #tpu.memory_space<hbm>>, %arg6: memref<2x10240x128xf32, #tpu.memory_space<hbm>>, %arg7: memref<256x40xi32, #tpu.memory_space<vmem>>, %arg8: memref<256x40xi32, #tpu.memory_space<vmem>>, %arg9: memref<40x128xf32, #tpu.memory_space<vmem>>, %arg10: memref<40x128xf32, #tpu.memory_space<vmem>>, %arg11: memref<40x128xf32, #tpu.memory_space<vmem>>, %arg12: memref<40x128xf32, #tpu.memory_space<vmem>>, %arg13: memref<10240x128xf32, #tpu.memory_space<vmem_shared>>, %arg14: memref<!tpu.dma_semaphore, #tpu.memory_space<semaphore_mem>>, %arg15: memref<!tpu.dma_semaphore, #tpu.memory_space<semaphore_mem>>, %arg16: memref<!tpu.dma_semaphore, #tpu.memory_space<semaphore_mem>>, %arg17: memref<!tpu.dma_semaphore, #tpu.memory_space<semaphore_mem>>) attributes {dimension_semantics = [#tpu.dimension_semantics<core_parallel>, #tpu.dimension_semantics<subcore_parallel>], iteration_bounds = array<i64: 2, 16>, scalar_prefetch = 0 : i64, scratch_operands = 11 : i64, tpu.core_type = #tpu.core_type<sc_vector_subcore>, window_params = [{transform_indices = #map}, {transform_indices = #map1}, {transform_indices = #map1}, {transform_indices = #map}, {transform_indices = #map1}]} {
    %mul3A = arith.constant 16 : i32
    %mul3A_0 = arith.muli %arg0, %mul3A : i32
    %add3A = arith.addi %mul3A_0, %arg1 : i32
    "tpu.region"() ({
      %run_scoped3A = tpu.sem_alloc : memref<!tpu.dma_semaphore, #tpu.memory_space<semaphore_mem>>
      %dma_start3A_42 = arith.constant 0 : i32
      %dma_start3A_43 = arith.constant 0 : i32
      %dma_start3A_44 = tpu.memref_slice %arg3[%add3A, %dma_start3A_42, %dma_start3A_43] : memref<32x256x40xi32, #tpu.memory_space<hbm>> -> memref<1x256x40xi32, #tpu.memory_space<hbm>>
      %dma_start3A_45 = tpu.memref_squeeze %dma_start3A_44 : memref<1x256x40xi32, #tpu.memory_space<hbm>> -> memref<256x40xi32, #tpu.memory_space<hbm>>
      %dma_start3A_46 = arith.constant 0 : i32
      %dma_start3A_47 = arith.constant 0 : i32
      %dma_start3A_48 = tpu.memref_slice %arg3[%add3A, %dma_start3A_46, %dma_start3A_47] : memref<32x256x40xi32, #tpu.memory_space<hbm>> -> memref<1x256x40xi32, #tpu.memory_space<hbm>>
      %dma_start3A_49 = tpu.memref_squeeze %dma_start3A_48 : memref<1x256x40xi32, #tpu.memory_space<hbm>> -> memref<256x40xi32, #tpu.memory_space<hbm>>
      tpu.enqueue_dma source(%dma_start3A_49 : memref<256x40xi32, #tpu.memory_space<hbm>>) target(%arg7 : memref<256x40xi32, #tpu.memory_space<vmem>>) target_semaphore(%run_scoped3A : memref<!tpu.dma_semaphore, #tpu.memory_space<semaphore_mem>>)
      %dma_wait3A = arith.constant 0 : i32
      %dma_wait3A_50 = arith.constant 0 : i32
      %dma_wait3A_51 = tpu.memref_slice %arg3[%add3A, %dma_wait3A, %dma_wait3A_50] : memref<32x256x40xi32, #tpu.memory_space<hbm>> -> memref<1x256x40xi32, #tpu.memory_space<hbm>>
      %dma_wait3A_52 = tpu.memref_squeeze %dma_wait3A_51 : memref<1x256x40xi32, #tpu.memory_space<hbm>> -> memref<256x40xi32, #tpu.memory_space<hbm>>
      %dma_wait3A_53 = arith.constant 0 : i32
      %dma_wait3A_54 = arith.constant 0 : i32
      %dma_wait3A_55 = tpu.memref_slice %arg3[%add3A, %dma_wait3A_53, %dma_wait3A_54] : memref<32x256x40xi32, #tpu.memory_space<hbm>> -> memref<1x256x40xi32, #tpu.memory_space<hbm>>
      %dma_wait3A_56 = tpu.memref_squeeze %dma_wait3A_55 : memref<1x256x40xi32, #tpu.memory_space<hbm>> -> memref<256x40xi32, #tpu.memory_space<hbm>>
      tpu.wait_dma2 semaphore(%run_scoped3A : memref<!tpu.dma_semaphore, #tpu.memory_space<semaphore_mem>>) src(%dma_wait3A_56 : memref<256x40xi32, #tpu.memory_space<hbm>>) dst(%arg7 : memref<256x40xi32, #tpu.memory_space<vmem>>)
      tpu.yield
    }) : () -> ()
    "tpu.region"() ({
      %run_scoped3A = tpu.sem_alloc : memref<!tpu.dma_semaphore, #tpu.memory_space<semaphore_mem>>
      %dma_start3A_42 = arith.constant 0 : i32
      %dma_start3A_43 = arith.constant 0 : i32
      %dma_start3A_44 = tpu.memref_slice %arg4[%add3A, %dma_start3A_42, %dma_start3A_43] : memref<32x256x40xi32, #tpu.memory_space<hbm>> -> memref<1x256x40xi32, #tpu.memory_space<hbm>>
      %dma_start3A_45 = tpu.memref_squeeze %dma_start3A_44 : memref<1x256x40xi32, #tpu.memory_space<hbm>> -> memref<256x40xi32, #tpu.memory_space<hbm>>
      %dma_start3A_46 = arith.constant 0 : i32
      %dma_start3A_47 = arith.constant 0 : i32
      %dma_start3A_48 = tpu.memref_slice %arg4[%add3A, %dma_start3A_46, %dma_start3A_47] : memref<32x256x40xi32, #tpu.memory_space<hbm>> -> memref<1x256x40xi32, #tpu.memory_space<hbm>>
      %dma_start3A_49 = tpu.memref_squeeze %dma_start3A_48 : memref<1x256x40xi32, #tpu.memory_space<hbm>> -> memref<256x40xi32, #tpu.memory_space<hbm>>
      tpu.enqueue_dma source(%dma_start3A_49 : memref<256x40xi32, #tpu.memory_space<hbm>>) target(%arg8 : memref<256x40xi32, #tpu.memory_space<vmem>>) target_semaphore(%run_scoped3A : memref<!tpu.dma_semaphore, #tpu.memory_space<semaphore_mem>>)
      %dma_wait3A = arith.constant 0 : i32
      %dma_wait3A_50 = arith.constant 0 : i32
      %dma_wait3A_51 = tpu.memref_slice %arg4[%add3A, %dma_wait3A, %dma_wait3A_50] : memref<32x256x40xi32, #tpu.memory_space<hbm>> -> memref<1x256x40xi32, #tpu.memory_space<hbm>>
      %dma_wait3A_52 = tpu.memref_squeeze %dma_wait3A_51 : memref<1x256x40xi32, #tpu.memory_space<hbm>> -> memref<256x40xi32, #tpu.memory_space<hbm>>
      %dma_wait3A_53 = arith.constant 0 : i32
      %dma_wait3A_54 = arith.constant 0 : i32
      %dma_wait3A_55 = tpu.memref_slice %arg4[%add3A, %dma_wait3A_53, %dma_wait3A_54] : memref<32x256x40xi32, #tpu.memory_space<hbm>> -> memref<1x256x40xi32, #tpu.memory_space<hbm>>
      %dma_wait3A_56 = tpu.memref_squeeze %dma_wait3A_55 : memref<1x256x40xi32, #tpu.memory_space<hbm>> -> memref<256x40xi32, #tpu.memory_space<hbm>>
      tpu.wait_dma2 semaphore(%run_scoped3A : memref<!tpu.dma_semaphore, #tpu.memory_space<semaphore_mem>>) src(%dma_wait3A_56 : memref<256x40xi32, #tpu.memory_space<hbm>>) dst(%arg8 : memref<256x40xi32, #tpu.memory_space<vmem>>)
      tpu.yield
    }) : () -> ()
    %mul3A_1 = arith.constant 640 : i32
    %mul3A_2 = arith.muli %arg1, %mul3A_1 : i32
    %mul3A_3 = arith.constant 640 : i32
    %mul3A_4 = arith.muli %arg1, %mul3A_3 : i32
    "tpu.region"() ({
      %run_scoped3A = tpu.sem_alloc : memref<!tpu.dma_semaphore, #tpu.memory_space<semaphore_mem>>
      %dma_start3A_42 = arith.constant 0 : i32
      %dma_start3A_43 = tpu.memref_slice %arg13[%mul3A_4, %dma_start3A_42] : memref<10240x128xf32, #tpu.memory_space<vmem_shared>> -> memref<640x128xf32, #tpu.memory_space<vmem_shared>>
      %dma_start3A_44 = arith.constant 0 : i32
      %dma_start3A_45 = tpu.memref_slice %arg5[%mul3A_2, %dma_start3A_44] : memref<10240x128xf32, #tpu.memory_space<hbm>> -> memref<640x128xf32, #tpu.memory_space<hbm>>
      tpu.enqueue_dma source(%dma_start3A_45 : memref<640x128xf32, #tpu.memory_space<hbm>>) target(%dma_start3A_43 : memref<640x128xf32, #tpu.memory_space<vmem_shared>>) target_semaphore(%run_scoped3A : memref<!tpu.dma_semaphore, #tpu.memory_space<semaphore_mem>>)
      %dma_wait3A = arith.constant 0 : i32
      %dma_wait3A_46 = tpu.memref_slice %arg13[%mul3A_4, %dma_wait3A] : memref<10240x128xf32, #tpu.memory_space<vmem_shared>> -> memref<640x128xf32, #tpu.memory_space<vmem_shared>>
      %dma_wait3A_47 = arith.constant 0 : i32
      %dma_wait3A_48 = tpu.memref_slice %arg5[%mul3A_2, %dma_wait3A_47] : memref<10240x128xf32, #tpu.memory_space<hbm>> -> memref<640x128xf32, #tpu.memory_space<hbm>>
      tpu.wait_dma2 semaphore(%run_scoped3A : memref<!tpu.dma_semaphore, #tpu.memory_space<semaphore_mem>>) src(%dma_wait3A_48 : memref<640x128xf32, #tpu.memory_space<hbm>>) dst(%dma_wait3A_46 : memref<640x128xf32, #tpu.memory_space<vmem_shared>>)
      tpu.yield
    }) : () -> ()
    %barrier3A = arith.constant 0 : index
    tpu.barrier barrier_id(%barrier3A)
    %dma_start3A = arith.constant 0 : i32
    %dma_start3A_5 = arith.constant 0 : i32
    %dma_start3A_6 = tpu.memref_slice %arg7[%dma_start3A, %dma_start3A_5] : memref<256x40xi32, #tpu.memory_space<vmem>> -> memref<1x40xi32, #tpu.memory_space<vmem>>
    %dma_start3A_7 = tpu.memref_squeeze %dma_start3A_6 : memref<1x40xi32, #tpu.memory_space<vmem>> -> memref<40xi32, #tpu.memory_space<vmem>>
    %dma_start3A_8 = arith.constant 0 : i32
    %dma_start3A_9 = arith.constant 0 : i32
    %dma_start3A_10 = tpu.memref_slice %arg2[%dma_start3A_8, %dma_start3A_9] : memref<10240x128xf32, #tpu.memory_space<hbm>> -> memref<10240x128xf32, #tpu.memory_space<hbm>>
    tpu.enqueue_indirect_dma source(%dma_start3A_10 : memref<10240x128xf32, #tpu.memory_space<hbm>>) target(%arg9 : memref<40x128xf32, #tpu.memory_space<vmem>>) offsets(%dma_start3A_7 : memref<40xi32, #tpu.memory_space<vmem>>) semaphore(%arg14 : memref<!tpu.dma_semaphore, #tpu.memory_space<semaphore_mem>>)
    %dma_start3A_11 = arith.constant 1 : i32
    %dma_start3A_12 = arith.constant 0 : i32
    %dma_start3A_13 = tpu.memref_slice %arg7[%dma_start3A_11, %dma_start3A_12] : memref<256x40xi32, #tpu.memory_space<vmem>> -> memref<1x40xi32, #tpu.memory_space<vmem>>
    %dma_start3A_14 = tpu.memref_squeeze %dma_start3A_13 : memref<1x40xi32, #tpu.memory_space<vmem>> -> memref<40xi32, #tpu.memory_space<vmem>>
    %dma_start3A_15 = arith.constant 0 : i32
    %dma_start3A_16 = arith.constant 0 : i32
    %dma_start3A_17 = tpu.memref_slice %arg2[%dma_start3A_15, %dma_start3A_16] : memref<10240x128xf32, #tpu.memory_space<hbm>> -> memref<10240x128xf32, #tpu.memory_space<hbm>>
    tpu.enqueue_indirect_dma source(%dma_start3A_17 : memref<10240x128xf32, #tpu.memory_space<hbm>>) target(%arg10 : memref<40x128xf32, #tpu.memory_space<vmem>>) offsets(%dma_start3A_14 : memref<40xi32, #tpu.memory_space<vmem>>) semaphore(%arg15 : memref<!tpu.dma_semaphore, #tpu.memory_space<semaphore_mem>>)
    %dma_start3A_18 = arith.constant 2 : i32
    %dma_start3A_19 = arith.constant 0 : i32
    %dma_start3A_20 = tpu.memref_slice %arg7[%dma_start3A_18, %dma_start3A_19] : memref<256x40xi32, #tpu.memory_space<vmem>> -> memref<1x40xi32, #tpu.memory_space<vmem>>
    %dma_start3A_21 = tpu.memref_squeeze %dma_start3A_20 : memref<1x40xi32, #tpu.memory_space<vmem>> -> memref<40xi32, #tpu.memory_space<vmem>>
    %dma_start3A_22 = arith.constant 0 : i32
    %dma_start3A_23 = arith.constant 0 : i32
    %dma_start3A_24 = tpu.memref_slice %arg2[%dma_start3A_22, %dma_start3A_23] : memref<10240x128xf32, #tpu.memory_space<hbm>> -> memref<10240x128xf32, #tpu.memory_space<hbm>>
    tpu.enqueue_indirect_dma source(%dma_start3A_24 : memref<10240x128xf32, #tpu.memory_space<hbm>>) target(%arg11 : memref<40x128xf32, #tpu.memory_space<vmem>>) offsets(%dma_start3A_21 : memref<40xi32, #tpu.memory_space<vmem>>) semaphore(%arg16 : memref<!tpu.dma_semaphore, #tpu.memory_space<semaphore_mem>>)
    %dma_start3A_25 = arith.constant 3 : i32
    %dma_start3A_26 = arith.constant 0 : i32
    %dma_start3A_27 = tpu.memref_slice %arg7[%dma_start3A_25, %dma_start3A_26] : memref<256x40xi32, #tpu.memory_space<vmem>> -> memref<1x40xi32, #tpu.memory_space<vmem>>
    %dma_start3A_28 = tpu.memref_squeeze %dma_start3A_27 : memref<1x40xi32, #tpu.memory_space<vmem>> -> memref<40xi32, #tpu.memory_space<vmem>>
    %dma_start3A_29 = arith.constant 0 : i32
    %dma_start3A_30 = arith.constant 0 : i32
    %dma_start3A_31 = tpu.memref_slice %arg2[%dma_start3A_29, %dma_start3A_30] : memref<10240x128xf32, #tpu.memory_space<hbm>> -> memref<10240x128xf32, #tpu.memory_space<hbm>>
    tpu.enqueue_indirect_dma source(%dma_start3A_31 : memref<10240x128xf32, #tpu.memory_space<hbm>>) target(%arg12 : memref<40x128xf32, #tpu.memory_space<vmem>>) offsets(%dma_start3A_28 : memref<40xi32, #tpu.memory_space<vmem>>) semaphore(%arg17 : memref<!tpu.dma_semaphore, #tpu.memory_space<semaphore_mem>>)
    %scan3A = arith.constant 0 : i32
    %scan3A_32 = arith.constant 0 : i32
    %scan3A_33 = arith.constant 64 : i32
    %scan3A_34 = arith.addi %scan3A_32, %scan3A_33 : i32
    %scan3A_35 = arith.constant 1 : i32
    scf.for %scan3A_42 = %scan3A_32 to %scan3A_34 step %scan3A_35  : i32 {
      %mul3A_43 = arith.constant 4 : i32
      %mul3A_44 = arith.muli %mul3A_43, %scan3A_42 : i32
      %add3A_45 = arith.constant 0 : i32
      %add3A_46 = arith.addi %mul3A_44, %add3A_45 : i32
      %dma_wait3A = arith.constant 0 : i32
      %dma_wait3A_47 = tpu.memref_slice %arg7[%add3A_46, %dma_wait3A] : memref<256x40xi32, #tpu.memory_space<vmem>> -> memref<1x40xi32, #tpu.memory_space<vmem>>
      %dma_wait3A_48 = tpu.memref_squeeze %dma_wait3A_47 : memref<1x40xi32, #tpu.memory_space<vmem>> -> memref<40xi32, #tpu.memory_space<vmem>>
      %dma_wait3A_49 = arith.constant 0 : i32
      %dma_wait3A_50 = arith.constant 0 : i32
      %dma_wait3A_51 = tpu.memref_slice %arg2[%dma_wait3A_49, %dma_wait3A_50] : memref<10240x128xf32, #tpu.memory_space<hbm>> -> memref<10240x128xf32, #tpu.memory_space<hbm>>
      tpu.wait_indirect_dma semaphore(%arg14 : memref<!tpu.dma_semaphore, #tpu.memory_space<semaphore_mem>>) src(%dma_wait3A_51 : memref<10240x128xf32, #tpu.memory_space<hbm>>) dst(%arg9 : memref<40x128xf32, #tpu.memory_space<vmem>>)
      "tpu.region"() ({
        %run_scoped3A = tpu.sem_alloc : memref<!tpu.dma_semaphore, #tpu.memory_space<semaphore_mem>>
        %dma_start3A_122 = arith.constant 0 : i32
        %dma_start3A_123 = tpu.memref_slice %arg8[%add3A_46, %dma_start3A_122] : memref<256x40xi32, #tpu.memory_space<vmem>> -> memref<1x40xi32, #tpu.memory_space<vmem>>
        %dma_start3A_124 = tpu.memref_squeeze %dma_start3A_123 : memref<1x40xi32, #tpu.memory_space<vmem>> -> memref<40xi32, #tpu.memory_space<vmem>>
        %dma_start3A_125 = arith.constant 0 : i32
        %dma_start3A_126 = arith.constant 0 : i32
        %dma_start3A_127 = tpu.memref_slice %arg13[%dma_start3A_125, %dma_start3A_126] : memref<10240x128xf32, #tpu.memory_space<vmem_shared>> -> memref<10240x128xf32, #tpu.memory_space<vmem_shared>>
        tpu.enqueue_indirect_dma source(%arg9 : memref<40x128xf32, #tpu.memory_space<vmem>>) target(%dma_start3A_127 : memref<10240x128xf32, #tpu.memory_space<vmem_shared>>) offsets(%dma_start3A_124 : memref<40xi32, #tpu.memory_space<vmem>>) semaphore(%run_scoped3A : memref<!tpu.dma_semaphore, #tpu.memory_space<semaphore_mem>>) {add = true}
        %dma_wait3A_128 = arith.constant 0 : i32
        %dma_wait3A_129 = tpu.memref_slice %arg8[%add3A_46, %dma_wait3A_128] : memref<256x40xi32, #tpu.memory_space<vmem>> -> memref<1x40xi32, #tpu.memory_space<vmem>>
        %dma_wait3A_130 = tpu.memref_squeeze %dma_wait3A_129 : memref<1x40xi32, #tpu.memory_space<vmem>> -> memref<40xi32, #tpu.memory_space<vmem>>
        %dma_wait3A_131 = arith.constant 0 : i32
        %dma_wait3A_132 = arith.constant 0 : i32
        %dma_wait3A_133 = tpu.memref_slice %arg13[%dma_wait3A_131, %dma_wait3A_132] : memref<10240x128xf32, #tpu.memory_space<vmem_shared>> -> memref<10240x128xf32, #tpu.memory_space<vmem_shared>>
        tpu.wait_indirect_dma semaphore(%run_scoped3A : memref<!tpu.dma_semaphore, #tpu.memory_space<semaphore_mem>>) src(%arg9 : memref<40x128xf32, #tpu.memory_space<vmem>>) dst(%dma_wait3A_133 : memref<10240x128xf32, #tpu.memory_space<vmem_shared>>)
        tpu.yield
      }) : () -> ()
      %add3A_52 = arith.constant 4 : i32
      %add3A_53 = arith.addi %add3A_46, %add3A_52 : i32
      %min3A = arith.constant 255 : i32
      %min3A_54 = arith.minsi %add3A_53, %min3A : i32
      %add3A_55 = arith.constant 4 : i32
      %add3A_56 = arith.addi %add3A_46, %add3A_55 : i32
      %lt3A = arith.constant 256 : i32
      %lt3A_57 = arith.cmpi slt, %add3A_56, %lt3A : i32
      %convert_element_type3A = arith.extui %lt3A_57 : i1 to i32
      %cond3A = arith.constant 0 : i32
      %cond3A_58 = arith.cmpi ne, %convert_element_type3A, %cond3A : i32
      scf.if %cond3A_58 {
        %dma_start3A_122 = arith.constant 0 : i32
        %dma_start3A_123 = tpu.memref_slice %arg7[%min3A_54, %dma_start3A_122] : memref<256x40xi32, #tpu.memory_space<vmem>> -> memref<1x40xi32, #tpu.memory_space<vmem>>
        %dma_start3A_124 = tpu.memref_squeeze %dma_start3A_123 : memref<1x40xi32, #tpu.memory_space<vmem>> -> memref<40xi32, #tpu.memory_space<vmem>>
        %dma_start3A_125 = arith.constant 0 : i32
        %dma_start3A_126 = arith.constant 0 : i32
        %dma_start3A_127 = tpu.memref_slice %arg2[%dma_start3A_125, %dma_start3A_126] : memref<10240x128xf32, #tpu.memory_space<hbm>> -> memref<10240x128xf32, #tpu.memory_space<hbm>>
        tpu.enqueue_indirect_dma source(%dma_start3A_127 : memref<10240x128xf32, #tpu.memory_space<hbm>>) target(%arg9 : memref<40x128xf32, #tpu.memory_space<vmem>>) offsets(%dma_start3A_124 : memref<40xi32, #tpu.memory_space<vmem>>) semaphore(%arg14 : memref<!tpu.dma_semaphore, #tpu.memory_space<semaphore_mem>>)
      } else {
      }
      %mul3A_59 = arith.constant 4 : i32
      %mul3A_60 = arith.muli %mul3A_59, %scan3A_42 : i32
      %add3A_61 = arith.constant 1 : i32
      %add3A_62 = arith.addi %mul3A_60, %add3A_61 : i32
      %dma_wait3A_63 = arith.constant 0 : i32
      %dma_wait3A_64 = tpu.memref_slice %arg7[%add3A_62, %dma_wait3A_63] : memref<256x40xi32, #tpu.memory_space<vmem>> -> memref<1x40xi32, #tpu.memory_space<vmem>>
      %dma_wait3A_65 = tpu.memref_squeeze %dma_wait3A_64 : memref<1x40xi32, #tpu.memory_space<vmem>> -> memref<40xi32, #tpu.memory_space<vmem>>
      %dma_wait3A_66 = arith.constant 0 : i32
      %dma_wait3A_67 = arith.constant 0 : i32
      %dma_wait3A_68 = tpu.memref_slice %arg2[%dma_wait3A_66, %dma_wait3A_67] : memref<10240x128xf32, #tpu.memory_space<hbm>> -> memref<10240x128xf32, #tpu.memory_space<hbm>>
      tpu.wait_indirect_dma semaphore(%arg15 : memref<!tpu.dma_semaphore, #tpu.memory_space<semaphore_mem>>) src(%dma_wait3A_68 : memref<10240x128xf32, #tpu.memory_space<hbm>>) dst(%arg10 : memref<40x128xf32, #tpu.memory_space<vmem>>)
      "tpu.region"() ({
        %run_scoped3A = tpu.sem_alloc : memref<!tpu.dma_semaphore, #tpu.memory_space<semaphore_mem>>
        %dma_start3A_122 = arith.constant 0 : i32
        %dma_start3A_123 = tpu.memref_slice %arg8[%add3A_62, %dma_start3A_122] : memref<256x40xi32, #tpu.memory_space<vmem>> -> memref<1x40xi32, #tpu.memory_space<vmem>>
        %dma_start3A_124 = tpu.memref_squeeze %dma_start3A_123 : memref<1x40xi32, #tpu.memory_space<vmem>> -> memref<40xi32, #tpu.memory_space<vmem>>
        %dma_start3A_125 = arith.constant 0 : i32
        %dma_start3A_126 = arith.constant 0 : i32
        %dma_start3A_127 = tpu.memref_slice %arg13[%dma_start3A_125, %dma_start3A_126] : memref<10240x128xf32, #tpu.memory_space<vmem_shared>> -> memref<10240x128xf32, #tpu.memory_space<vmem_shared>>
        tpu.enqueue_indirect_dma source(%arg10 : memref<40x128xf32, #tpu.memory_space<vmem>>) target(%dma_start3A_127 : memref<10240x128xf32, #tpu.memory_space<vmem_shared>>) offsets(%dma_start3A_124 : memref<40xi32, #tpu.memory_space<vmem>>) semaphore(%run_scoped3A : memref<!tpu.dma_semaphore, #tpu.memory_space<semaphore_mem>>) {add = true}
        %dma_wait3A_128 = arith.constant 0 : i32
        %dma_wait3A_129 = tpu.memref_slice %arg8[%add3A_62, %dma_wait3A_128] : memref<256x40xi32, #tpu.memory_space<vmem>> -> memref<1x40xi32, #tpu.memory_space<vmem>>
        %dma_wait3A_130 = tpu.memref_squeeze %dma_wait3A_129 : memref<1x40xi32, #tpu.memory_space<vmem>> -> memref<40xi32, #tpu.memory_space<vmem>>
        %dma_wait3A_131 = arith.constant 0 : i32
        %dma_wait3A_132 = arith.constant 0 : i32
        %dma_wait3A_133 = tpu.memref_slice %arg13[%dma_wait3A_131, %dma_wait3A_132] : memref<10240x128xf32, #tpu.memory_space<vmem_shared>> -> memref<10240x128xf32, #tpu.memory_space<vmem_shared>>
        tpu.wait_indirect_dma semaphore(%run_scoped3A : memref<!tpu.dma_semaphore, #tpu.memory_space<semaphore_mem>>) src(%arg10 : memref<40x128xf32, #tpu.memory_space<vmem>>) dst(%dma_wait3A_133 : memref<10240x128xf32, #tpu.memory_space<vmem_shared>>)
        tpu.yield
      }) : () -> ()
      %add3A_69 = arith.constant 4 : i32
      %add3A_70 = arith.addi %add3A_62, %add3A_69 : i32
      %min3A_71 = arith.constant 255 : i32
      %min3A_72 = arith.minsi %add3A_70, %min3A_71 : i32
      %add3A_73 = arith.constant 4 : i32
      %add3A_74 = arith.addi %add3A_62, %add3A_73 : i32
      %lt3A_75 = arith.constant 256 : i32
      %lt3A_76 = arith.cmpi slt, %add3A_74, %lt3A_75 : i32
      %convert_element_type3A_77 = arith.extui %lt3A_76 : i1 to i32
      %cond3A_78 = arith.constant 0 : i32
      %cond3A_79 = arith.cmpi ne, %convert_element_type3A_77, %cond3A_78 : i32
      scf.if %cond3A_79 {
        %dma_start3A_122 = arith.constant 0 : i32
        %dma_start3A_123 = tpu.memref_slice %arg7[%min3A_72, %dma_start3A_122] : memref<256x40xi32, #tpu.memory_space<vmem>> -> memref<1x40xi32, #tpu.memory_space<vmem>>
        %dma_start3A_124 = tpu.memref_squeeze %dma_start3A_123 : memref<1x40xi32, #tpu.memory_space<vmem>> -> memref<40xi32, #tpu.memory_space<vmem>>
        %dma_start3A_125 = arith.constant 0 : i32
        %dma_start3A_126 = arith.constant 0 : i32
        %dma_start3A_127 = tpu.memref_slice %arg2[%dma_start3A_125, %dma_start3A_126] : memref<10240x128xf32, #tpu.memory_space<hbm>> -> memref<10240x128xf32, #tpu.memory_space<hbm>>
        tpu.enqueue_indirect_dma source(%dma_start3A_127 : memref<10240x128xf32, #tpu.memory_space<hbm>>) target(%arg10 : memref<40x128xf32, #tpu.memory_space<vmem>>) offsets(%dma_start3A_124 : memref<40xi32, #tpu.memory_space<vmem>>) semaphore(%arg15 : memref<!tpu.dma_semaphore, #tpu.memory_space<semaphore_mem>>)
      } else {
      }
      %mul3A_80 = arith.constant 4 : i32
      %mul3A_81 = arith.muli %mul3A_80, %scan3A_42 : i32
      %add3A_82 = arith.constant 2 : i32
      %add3A_83 = arith.addi %mul3A_81, %add3A_82 : i32
      %dma_wait3A_84 = arith.constant 0 : i32
      %dma_wait3A_85 = tpu.memref_slice %arg7[%add3A_83, %dma_wait3A_84] : memref<256x40xi32, #tpu.memory_space<vmem>> -> memref<1x40xi32, #tpu.memory_space<vmem>>
      %dma_wait3A_86 = tpu.memref_squeeze %dma_wait3A_85 : memref<1x40xi32, #tpu.memory_space<vmem>> -> memref<40xi32, #tpu.memory_space<vmem>>
      %dma_wait3A_87 = arith.constant 0 : i32
      %dma_wait3A_88 = arith.constant 0 : i32
      %dma_wait3A_89 = tpu.memref_slice %arg2[%dma_wait3A_87, %dma_wait3A_88] : memref<10240x128xf32, #tpu.memory_space<hbm>> -> memref<10240x128xf32, #tpu.memory_space<hbm>>
      tpu.wait_indirect_dma semaphore(%arg16 : memref<!tpu.dma_semaphore, #tpu.memory_space<semaphore_mem>>) src(%dma_wait3A_89 : memref<10240x128xf32, #tpu.memory_space<hbm>>) dst(%arg11 : memref<40x128xf32, #tpu.memory_space<vmem>>)
      "tpu.region"() ({
        %run_scoped3A = tpu.sem_alloc : memref<!tpu.dma_semaphore, #tpu.memory_space<semaphore_mem>>
        %dma_start3A_122 = arith.constant 0 : i32
        %dma_start3A_123 = tpu.memref_slice %arg8[%add3A_83, %dma_start3A_122] : memref<256x40xi32, #tpu.memory_space<vmem>> -> memref<1x40xi32, #tpu.memory_space<vmem>>
        %dma_start3A_124 = tpu.memref_squeeze %dma_start3A_123 : memref<1x40xi32, #tpu.memory_space<vmem>> -> memref<40xi32, #tpu.memory_space<vmem>>
        %dma_start3A_125 = arith.constant 0 : i32
        %dma_start3A_126 = arith.constant 0 : i32
        %dma_start3A_127 = tpu.memref_slice %arg13[%dma_start3A_125, %dma_start3A_126] : memref<10240x128xf32, #tpu.memory_space<vmem_shared>> -> memref<10240x128xf32, #tpu.memory_space<vmem_shared>>
        tpu.enqueue_indirect_dma source(%arg11 : memref<40x128xf32, #tpu.memory_space<vmem>>) target(%dma_start3A_127 : memref<10240x128xf32, #tpu.memory_space<vmem_shared>>) offsets(%dma_start3A_124 : memref<40xi32, #tpu.memory_space<vmem>>) semaphore(%run_scoped3A : memref<!tpu.dma_semaphore, #tpu.memory_space<semaphore_mem>>) {add = true}
        %dma_wait3A_128 = arith.constant 0 : i32
        %dma_wait3A_129 = tpu.memref_slice %arg8[%add3A_83, %dma_wait3A_128] : memref<256x40xi32, #tpu.memory_space<vmem>> -> memref<1x40xi32, #tpu.memory_space<vmem>>
        %dma_wait3A_130 = tpu.memref_squeeze %dma_wait3A_129 : memref<1x40xi32, #tpu.memory_space<vmem>> -> memref<40xi32, #tpu.memory_space<vmem>>
        %dma_wait3A_131 = arith.constant 0 : i32
        %dma_wait3A_132 = arith.constant 0 : i32
        %dma_wait3A_133 = tpu.memref_slice %arg13[%dma_wait3A_131, %dma_wait3A_132] : memref<10240x128xf32, #tpu.memory_space<vmem_shared>> -> memref<10240x128xf32, #tpu.memory_space<vmem_shared>>
        tpu.wait_indirect_dma semaphore(%run_scoped3A : memref<!tpu.dma_semaphore, #tpu.memory_space<semaphore_mem>>) src(%arg11 : memref<40x128xf32, #tpu.memory_space<vmem>>) dst(%dma_wait3A_133 : memref<10240x128xf32, #tpu.memory_space<vmem_shared>>)
        tpu.yield
      }) : () -> ()
      %add3A_90 = arith.constant 4 : i32
      %add3A_91 = arith.addi %add3A_83, %add3A_90 : i32
      %min3A_92 = arith.constant 255 : i32
      %min3A_93 = arith.minsi %add3A_91, %min3A_92 : i32
      %add3A_94 = arith.constant 4 : i32
      %add3A_95 = arith.addi %add3A_83, %add3A_94 : i32
      %lt3A_96 = arith.constant 256 : i32
      %lt3A_97 = arith.cmpi slt, %add3A_95, %lt3A_96 : i32
      %convert_element_type3A_98 = arith.extui %lt3A_97 : i1 to i32
      %cond3A_99 = arith.constant 0 : i32
      %cond3A_100 = arith.cmpi ne, %convert_element_type3A_98, %cond3A_99 : i32
      scf.if %cond3A_100 {
        %dma_start3A_122 = arith.constant 0 : i32
        %dma_start3A_123 = tpu.memref_slice %arg7[%min3A_93, %dma_start3A_122] : memref<256x40xi32, #tpu.memory_space<vmem>> -> memref<1x40xi32, #tpu.memory_space<vmem>>
        %dma_start3A_124 = tpu.memref_squeeze %dma_start3A_123 : memref<1x40xi32, #tpu.memory_space<vmem>> -> memref<40xi32, #tpu.memory_space<vmem>>
        %dma_start3A_125 = arith.constant 0 : i32
        %dma_start3A_126 = arith.constant 0 : i32
        %dma_start3A_127 = tpu.memref_slice %arg2[%dma_start3A_125, %dma_start3A_126] : memref<10240x128xf32, #tpu.memory_space<hbm>> -> memref<10240x128xf32, #tpu.memory_space<hbm>>
        tpu.enqueue_indirect_dma source(%dma_start3A_127 : memref<10240x128xf32, #tpu.memory_space<hbm>>) target(%arg11 : memref<40x128xf32, #tpu.memory_space<vmem>>) offsets(%dma_start3A_124 : memref<40xi32, #tpu.memory_space<vmem>>) semaphore(%arg16 : memref<!tpu.dma_semaphore, #tpu.memory_space<semaphore_mem>>)
      } else {
      }
      %mul3A_101 = arith.constant 4 : i32
      %mul3A_102 = arith.muli %mul3A_101, %scan3A_42 : i32
      %add3A_103 = arith.constant 3 : i32
      %add3A_104 = arith.addi %mul3A_102, %add3A_103 : i32
      %dma_wait3A_105 = arith.constant 0 : i32
      %dma_wait3A_106 = tpu.memref_slice %arg7[%add3A_104, %dma_wait3A_105] : memref<256x40xi32, #tpu.memory_space<vmem>> -> memref<1x40xi32, #tpu.memory_space<vmem>>
      %dma_wait3A_107 = tpu.memref_squeeze %dma_wait3A_106 : memref<1x40xi32, #tpu.memory_space<vmem>> -> memref<40xi32, #tpu.memory_space<vmem>>
      %dma_wait3A_108 = arith.constant 0 : i32
      %dma_wait3A_109 = arith.constant 0 : i32
      %dma_wait3A_110 = tpu.memref_slice %arg2[%dma_wait3A_108, %dma_wait3A_109] : memref<10240x128xf32, #tpu.memory_space<hbm>> -> memref<10240x128xf32, #tpu.memory_space<hbm>>
      tpu.wait_indirect_dma semaphore(%arg17 : memref<!tpu.dma_semaphore, #tpu.memory_space<semaphore_mem>>) src(%dma_wait3A_110 : memref<10240x128xf32, #tpu.memory_space<hbm>>) dst(%arg12 : memref<40x128xf32, #tpu.memory_space<vmem>>)
      "tpu.region"() ({
        %run_scoped3A = tpu.sem_alloc : memref<!tpu.dma_semaphore, #tpu.memory_space<semaphore_mem>>
        %dma_start3A_122 = arith.constant 0 : i32
        %dma_start3A_123 = tpu.memref_slice %arg8[%add3A_104, %dma_start3A_122] : memref<256x40xi32, #tpu.memory_space<vmem>> -> memref<1x40xi32, #tpu.memory_space<vmem>>
        %dma_start3A_124 = tpu.memref_squeeze %dma_start3A_123 : memref<1x40xi32, #tpu.memory_space<vmem>> -> memref<40xi32, #tpu.memory_space<vmem>>
        %dma_start3A_125 = arith.constant 0 : i32
        %dma_start3A_126 = arith.constant 0 : i32
        %dma_start3A_127 = tpu.memref_slice %arg13[%dma_start3A_125, %dma_start3A_126] : memref<10240x128xf32, #tpu.memory_space<vmem_shared>> -> memref<10240x128xf32, #tpu.memory_space<vmem_shared>>
        tpu.enqueue_indirect_dma source(%arg12 : memref<40x128xf32, #tpu.memory_space<vmem>>) target(%dma_start3A_127 : memref<10240x128xf32, #tpu.memory_space<vmem_shared>>) offsets(%dma_start3A_124 : memref<40xi32, #tpu.memory_space<vmem>>) semaphore(%run_scoped3A : memref<!tpu.dma_semaphore, #tpu.memory_space<semaphore_mem>>) {add = true}
        %dma_wait3A_128 = arith.constant 0 : i32
        %dma_wait3A_129 = tpu.memref_slice %arg8[%add3A_104, %dma_wait3A_128] : memref<256x40xi32, #tpu.memory_space<vmem>> -> memref<1x40xi32, #tpu.memory_space<vmem>>
        %dma_wait3A_130 = tpu.memref_squeeze %dma_wait3A_129 : memref<1x40xi32, #tpu.memory_space<vmem>> -> memref<40xi32, #tpu.memory_space<vmem>>
        %dma_wait3A_131 = arith.constant 0 : i32
        %dma_wait3A_132 = arith.constant 0 : i32
        %dma_wait3A_133 = tpu.memref_slice %arg13[%dma_wait3A_131, %dma_wait3A_132] : memref<10240x128xf32, #tpu.memory_space<vmem_shared>> -> memref<10240x128xf32, #tpu.memory_space<vmem_shared>>
        tpu.wait_indirect_dma semaphore(%run_scoped3A : memref<!tpu.dma_semaphore, #tpu.memory_space<semaphore_mem>>) src(%arg12 : memref<40x128xf32, #tpu.memory_space<vmem>>) dst(%dma_wait3A_133 : memref<10240x128xf32, #tpu.memory_space<vmem_shared>>)
        tpu.yield
      }) : () -> ()
      %add3A_111 = arith.constant 4 : i32
      %add3A_112 = arith.addi %add3A_104, %add3A_111 : i32
      %min3A_113 = arith.constant 255 : i32
      %min3A_114 = arith.minsi %add3A_112, %min3A_113 : i32
      %add3A_115 = arith.constant 4 : i32
      %add3A_116 = arith.addi %add3A_104, %add3A_115 : i32
      %lt3A_117 = arith.constant 256 : i32
      %lt3A_118 = arith.cmpi slt, %add3A_116, %lt3A_117 : i32
      %convert_element_type3A_119 = arith.extui %lt3A_118 : i1 to i32
      %cond3A_120 = arith.constant 0 : i32
      %cond3A_121 = arith.cmpi ne, %convert_element_type3A_119, %cond3A_120 : i32
      scf.if %cond3A_121 {
        %dma_start3A_122 = arith.constant 0 : i32
        %dma_start3A_123 = tpu.memref_slice %arg7[%min3A_114, %dma_start3A_122] : memref<256x40xi32, #tpu.memory_space<vmem>> -> memref<1x40xi32, #tpu.memory_space<vmem>>
        %dma_start3A_124 = tpu.memref_squeeze %dma_start3A_123 : memref<1x40xi32, #tpu.memory_space<vmem>> -> memref<40xi32, #tpu.memory_space<vmem>>
        %dma_start3A_125 = arith.constant 0 : i32
        %dma_start3A_126 = arith.constant 0 : i32
        %dma_start3A_127 = tpu.memref_slice %arg2[%dma_start3A_125, %dma_start3A_126] : memref<10240x128xf32, #tpu.memory_space<hbm>> -> memref<10240x128xf32, #tpu.memory_space<hbm>>
        tpu.enqueue_indirect_dma source(%dma_start3A_127 : memref<10240x128xf32, #tpu.memory_space<hbm>>) target(%arg12 : memref<40x128xf32, #tpu.memory_space<vmem>>) offsets(%dma_start3A_124 : memref<40xi32, #tpu.memory_space<vmem>>) semaphore(%arg17 : memref<!tpu.dma_semaphore, #tpu.memory_space<semaphore_mem>>)
      } else {
      }
    }
    %scan3A_36 = arith.constant 64 : i32
    %barrier3A_37 = arith.constant 0 : index
    tpu.barrier barrier_id(%barrier3A_37)
    %mul3A_38 = arith.constant 640 : i32
    %mul3A_39 = arith.muli %arg1, %mul3A_38 : i32
    %mul3A_40 = arith.constant 640 : i32
    %mul3A_41 = arith.muli %arg1, %mul3A_40 : i32
    "tpu.region"() ({
      %run_scoped3A = tpu.sem_alloc : memref<!tpu.dma_semaphore, #tpu.memory_space<semaphore_mem>>
      %dma_start3A_42 = arith.constant 0 : i32
      %dma_start3A_43 = tpu.memref_slice %arg6[%arg0, %mul3A_41, %dma_start3A_42] : memref<2x10240x128xf32, #tpu.memory_space<hbm>> -> memref<1x640x128xf32, #tpu.memory_space<hbm>>
      %dma_start3A_44 = tpu.memref_squeeze %dma_start3A_43 : memref<1x640x128xf32, #tpu.memory_space<hbm>> -> memref<640x128xf32, #tpu.memory_space<hbm>>
      %dma_start3A_45 = arith.constant 0 : i32
      %dma_start3A_46 = tpu.memref_slice %arg13[%mul3A_39, %dma_start3A_45] : memref<10240x128xf32, #tpu.memory_space<vmem_shared>> -> memref<640x128xf32, #tpu.memory_space<vmem_shared>>
      tpu.enqueue_dma source(%dma_start3A_46 : memref<640x128xf32, #tpu.memory_space<vmem_shared>>) target(%dma_start3A_44 : memref<640x128xf32, #tpu.memory_space<hbm>>) target_semaphore(%run_scoped3A : memref<!tpu.dma_semaphore, #tpu.memory_space<semaphore_mem>>)
      %dma_wait3A = arith.constant 0 : i32
      %dma_wait3A_47 = tpu.memref_slice %arg6[%arg0, %mul3A_41, %dma_wait3A] : memref<2x10240x128xf32, #tpu.memory_space<hbm>> -> memref<1x640x128xf32, #tpu.memory_space<hbm>>
      %dma_wait3A_48 = tpu.memref_squeeze %dma_wait3A_47 : memref<1x640x128xf32, #tpu.memory_space<hbm>> -> memref<640x128xf32, #tpu.memory_space<hbm>>
      %dma_wait3A_49 = arith.constant 0 : i32
      %dma_wait3A_50 = tpu.memref_slice %arg13[%mul3A_39, %dma_wait3A_49] : memref<10240x128xf32, #tpu.memory_space<vmem_shared>> -> memref<640x128xf32, #tpu.memory_space<vmem_shared>>
      tpu.wait_dma2 semaphore(%run_scoped3A : memref<!tpu.dma_semaphore, #tpu.memory_space<semaphore_mem>>) src(%dma_wait3A_50 : memref<640x128xf32, #tpu.memory_space<vmem_shared>>) dst(%dma_wait3A_48 : memref<640x128xf32, #tpu.memory_space<hbm>>)
      tpu.yield
    }) : () -> ()
    return
  }
}

#map = affine_map<(d0, d1) -> (0, 0)>
#map1 = affine_map<(d0, d1) -> (0, 0, 0)>
module attributes {stable_mosaic.version = 14 : i64} {
  func.func @seg(%arg0: i32, %arg1: i32, %arg2: memref<10240x136xf32, #tpu.memory_space<hbm>>, %arg3: memref<32x256x40xi32, #tpu.memory_space<hbm>>, %arg4: memref<32x256x40xi32, #tpu.memory_space<hbm>>, %arg5: memref<10240x136xf32, #tpu.memory_space<hbm>>, %arg6: memref<2x10240x136xf32, #tpu.memory_space<hbm>>, %arg7: memref<256x40xi32, #tpu.memory_space<vmem>>, %arg8: memref<256x40xi32, #tpu.memory_space<vmem>>, %arg9: memref<40x136xf32, #tpu.memory_space<vmem>>, %arg10: memref<40x136xf32, #tpu.memory_space<vmem>>, %arg11: memref<40x136xf32, #tpu.memory_space<vmem>>, %arg12: memref<40x136xf32, #tpu.memory_space<vmem>>, %arg13: memref<10240x136xf32, #tpu.memory_space<vmem_shared>>, %arg14: memref<!tpu.dma_semaphore, #tpu.memory_space<semaphore_mem>>, %arg15: memref<!tpu.dma_semaphore, #tpu.memory_space<semaphore_mem>>, %arg16: memref<!tpu.dma_semaphore, #tpu.memory_space<semaphore_mem>>, %arg17: memref<!tpu.dma_semaphore, #tpu.memory_space<semaphore_mem>>) attributes {dimension_semantics = [#tpu.dimension_semantics<core_parallel>, #tpu.dimension_semantics<subcore_parallel>], iteration_bounds = array<i64: 2, 16>, scalar_prefetch = 0 : i64, scratch_operands = 11 : i64, tpu.core_type = #tpu.core_type<sc_vector_subcore>, window_params = [{transform_indices = #map}, {transform_indices = #map1}, {transform_indices = #map1}, {transform_indices = #map}, {transform_indices = #map1}]} {
    %mul3A = arith.constant 16 : i32
    %mul3A_0 = arith.muli %arg0, %mul3A : i32
    %add3A = arith.addi %mul3A_0, %arg1 : i32
    "tpu.region"() ({
      %run_scoped3A = tpu.sem_alloc : memref<!tpu.dma_semaphore, #tpu.memory_space<semaphore_mem>>
      %dma_start3A_42 = arith.constant 0 : i32
      %dma_start3A_43 = arith.constant 0 : i32
      %dma_start3A_44 = tpu.memref_slice %arg3[%add3A, %dma_start3A_42, %dma_start3A_43] : memref<32x256x40xi32, #tpu.memory_space<hbm>> -> memref<1x256x40xi32, #tpu.memory_space<hbm>>
      %dma_start3A_45 = tpu.memref_squeeze %dma_start3A_44 : memref<1x256x40xi32, #tpu.memory_space<hbm>> -> memref<256x40xi32, #tpu.memory_space<hbm>>
      %dma_start3A_46 = arith.constant 0 : i32
      %dma_start3A_47 = arith.constant 0 : i32
      %dma_start3A_48 = tpu.memref_slice %arg3[%add3A, %dma_start3A_46, %dma_start3A_47] : memref<32x256x40xi32, #tpu.memory_space<hbm>> -> memref<1x256x40xi32, #tpu.memory_space<hbm>>
      %dma_start3A_49 = tpu.memref_squeeze %dma_start3A_48 : memref<1x256x40xi32, #tpu.memory_space<hbm>> -> memref<256x40xi32, #tpu.memory_space<hbm>>
      tpu.enqueue_dma source(%dma_start3A_49 : memref<256x40xi32, #tpu.memory_space<hbm>>) target(%arg7 : memref<256x40xi32, #tpu.memory_space<vmem>>) target_semaphore(%run_scoped3A : memref<!tpu.dma_semaphore, #tpu.memory_space<semaphore_mem>>)
      %dma_wait3A = arith.constant 0 : i32
      %dma_wait3A_50 = arith.constant 0 : i32
      %dma_wait3A_51 = tpu.memref_slice %arg3[%add3A, %dma_wait3A, %dma_wait3A_50] : memref<32x256x40xi32, #tpu.memory_space<hbm>> -> memref<1x256x40xi32, #tpu.memory_space<hbm>>
      %dma_wait3A_52 = tpu.memref_squeeze %dma_wait3A_51 : memref<1x256x40xi32, #tpu.memory_space<hbm>> -> memref<256x40xi32, #tpu.memory_space<hbm>>
      %dma_wait3A_53 = arith.constant 0 : i32
      %dma_wait3A_54 = arith.constant 0 : i32
      %dma_wait3A_55 = tpu.memref_slice %arg3[%add3A, %dma_wait3A_53, %dma_wait3A_54] : memref<32x256x40xi32, #tpu.memory_space<hbm>> -> memref<1x256x40xi32, #tpu.memory_space<hbm>>
      %dma_wait3A_56 = tpu.memref_squeeze %dma_wait3A_55 : memref<1x256x40xi32, #tpu.memory_space<hbm>> -> memref<256x40xi32, #tpu.memory_space<hbm>>
      tpu.wait_dma2 semaphore(%run_scoped3A : memref<!tpu.dma_semaphore, #tpu.memory_space<semaphore_mem>>) src(%dma_wait3A_56 : memref<256x40xi32, #tpu.memory_space<hbm>>) dst(%arg7 : memref<256x40xi32, #tpu.memory_space<vmem>>)
      tpu.yield
    }) : () -> ()
    "tpu.region"() ({
      %run_scoped3A = tpu.sem_alloc : memref<!tpu.dma_semaphore, #tpu.memory_space<semaphore_mem>>
      %dma_start3A_42 = arith.constant 0 : i32
      %dma_start3A_43 = arith.constant 0 : i32
      %dma_start3A_44 = tpu.memref_slice %arg4[%add3A, %dma_start3A_42, %dma_start3A_43] : memref<32x256x40xi32, #tpu.memory_space<hbm>> -> memref<1x256x40xi32, #tpu.memory_space<hbm>>
      %dma_start3A_45 = tpu.memref_squeeze %dma_start3A_44 : memref<1x256x40xi32, #tpu.memory_space<hbm>> -> memref<256x40xi32, #tpu.memory_space<hbm>>
      %dma_start3A_46 = arith.constant 0 : i32
      %dma_start3A_47 = arith.constant 0 : i32
      %dma_start3A_48 = tpu.memref_slice %arg4[%add3A, %dma_start3A_46, %dma_start3A_47] : memref<32x256x40xi32, #tpu.memory_space<hbm>> -> memref<1x256x40xi32, #tpu.memory_space<hbm>>
      %dma_start3A_49 = tpu.memref_squeeze %dma_start3A_48 : memref<1x256x40xi32, #tpu.memory_space<hbm>> -> memref<256x40xi32, #tpu.memory_space<hbm>>
      tpu.enqueue_dma source(%dma_start3A_49 : memref<256x40xi32, #tpu.memory_space<hbm>>) target(%arg8 : memref<256x40xi32, #tpu.memory_space<vmem>>) target_semaphore(%run_scoped3A : memref<!tpu.dma_semaphore, #tpu.memory_space<semaphore_mem>>)
      %dma_wait3A = arith.constant 0 : i32
      %dma_wait3A_50 = arith.constant 0 : i32
      %dma_wait3A_51 = tpu.memref_slice %arg4[%add3A, %dma_wait3A, %dma_wait3A_50] : memref<32x256x40xi32, #tpu.memory_space<hbm>> -> memref<1x256x40xi32, #tpu.memory_space<hbm>>
      %dma_wait3A_52 = tpu.memref_squeeze %dma_wait3A_51 : memref<1x256x40xi32, #tpu.memory_space<hbm>> -> memref<256x40xi32, #tpu.memory_space<hbm>>
      %dma_wait3A_53 = arith.constant 0 : i32
      %dma_wait3A_54 = arith.constant 0 : i32
      %dma_wait3A_55 = tpu.memref_slice %arg4[%add3A, %dma_wait3A_53, %dma_wait3A_54] : memref<32x256x40xi32, #tpu.memory_space<hbm>> -> memref<1x256x40xi32, #tpu.memory_space<hbm>>
      %dma_wait3A_56 = tpu.memref_squeeze %dma_wait3A_55 : memref<1x256x40xi32, #tpu.memory_space<hbm>> -> memref<256x40xi32, #tpu.memory_space<hbm>>
      tpu.wait_dma2 semaphore(%run_scoped3A : memref<!tpu.dma_semaphore, #tpu.memory_space<semaphore_mem>>) src(%dma_wait3A_56 : memref<256x40xi32, #tpu.memory_space<hbm>>) dst(%arg8 : memref<256x40xi32, #tpu.memory_space<vmem>>)
      tpu.yield
    }) : () -> ()
    %mul3A_1 = arith.constant 640 : i32
    %mul3A_2 = arith.muli %arg1, %mul3A_1 : i32
    %mul3A_3 = arith.constant 640 : i32
    %mul3A_4 = arith.muli %arg1, %mul3A_3 : i32
    "tpu.region"() ({
      %run_scoped3A = tpu.sem_alloc : memref<!tpu.dma_semaphore, #tpu.memory_space<semaphore_mem>>
      %dma_start3A_42 = arith.constant 0 : i32
      %dma_start3A_43 = tpu.memref_slice %arg13[%mul3A_4, %dma_start3A_42] : memref<10240x136xf32, #tpu.memory_space<vmem_shared>> -> memref<640x136xf32, #tpu.memory_space<vmem_shared>>
      %dma_start3A_44 = arith.constant 0 : i32
      %dma_start3A_45 = tpu.memref_slice %arg5[%mul3A_2, %dma_start3A_44] : memref<10240x136xf32, #tpu.memory_space<hbm>> -> memref<640x136xf32, #tpu.memory_space<hbm>>
      tpu.enqueue_dma source(%dma_start3A_45 : memref<640x136xf32, #tpu.memory_space<hbm>>) target(%dma_start3A_43 : memref<640x136xf32, #tpu.memory_space<vmem_shared>>) target_semaphore(%run_scoped3A : memref<!tpu.dma_semaphore, #tpu.memory_space<semaphore_mem>>)
      %dma_wait3A = arith.constant 0 : i32
      %dma_wait3A_46 = tpu.memref_slice %arg13[%mul3A_4, %dma_wait3A] : memref<10240x136xf32, #tpu.memory_space<vmem_shared>> -> memref<640x136xf32, #tpu.memory_space<vmem_shared>>
      %dma_wait3A_47 = arith.constant 0 : i32
      %dma_wait3A_48 = tpu.memref_slice %arg5[%mul3A_2, %dma_wait3A_47] : memref<10240x136xf32, #tpu.memory_space<hbm>> -> memref<640x136xf32, #tpu.memory_space<hbm>>
      tpu.wait_dma2 semaphore(%run_scoped3A : memref<!tpu.dma_semaphore, #tpu.memory_space<semaphore_mem>>) src(%dma_wait3A_48 : memref<640x136xf32, #tpu.memory_space<hbm>>) dst(%dma_wait3A_46 : memref<640x136xf32, #tpu.memory_space<vmem_shared>>)
      tpu.yield
    }) : () -> ()
    %barrier3A = arith.constant 0 : index
    tpu.barrier barrier_id(%barrier3A)
    %dma_start3A = arith.constant 0 : i32
    %dma_start3A_5 = arith.constant 0 : i32
    %dma_start3A_6 = tpu.memref_slice %arg7[%dma_start3A, %dma_start3A_5] : memref<256x40xi32, #tpu.memory_space<vmem>> -> memref<1x40xi32, #tpu.memory_space<vmem>>
    %dma_start3A_7 = tpu.memref_squeeze %dma_start3A_6 : memref<1x40xi32, #tpu.memory_space<vmem>> -> memref<40xi32, #tpu.memory_space<vmem>>
    %dma_start3A_8 = arith.constant 0 : i32
    %dma_start3A_9 = arith.constant 0 : i32
    %dma_start3A_10 = tpu.memref_slice %arg2[%dma_start3A_8, %dma_start3A_9] : memref<10240x136xf32, #tpu.memory_space<hbm>> -> memref<10240x136xf32, #tpu.memory_space<hbm>>
    tpu.enqueue_indirect_dma source(%dma_start3A_10 : memref<10240x136xf32, #tpu.memory_space<hbm>>) target(%arg9 : memref<40x136xf32, #tpu.memory_space<vmem>>) offsets(%dma_start3A_7 : memref<40xi32, #tpu.memory_space<vmem>>) semaphore(%arg14 : memref<!tpu.dma_semaphore, #tpu.memory_space<semaphore_mem>>)
    %dma_start3A_11 = arith.constant 1 : i32
    %dma_start3A_12 = arith.constant 0 : i32
    %dma_start3A_13 = tpu.memref_slice %arg7[%dma_start3A_11, %dma_start3A_12] : memref<256x40xi32, #tpu.memory_space<vmem>> -> memref<1x40xi32, #tpu.memory_space<vmem>>
    %dma_start3A_14 = tpu.memref_squeeze %dma_start3A_13 : memref<1x40xi32, #tpu.memory_space<vmem>> -> memref<40xi32, #tpu.memory_space<vmem>>
    %dma_start3A_15 = arith.constant 0 : i32
    %dma_start3A_16 = arith.constant 0 : i32
    %dma_start3A_17 = tpu.memref_slice %arg2[%dma_start3A_15, %dma_start3A_16] : memref<10240x136xf32, #tpu.memory_space<hbm>> -> memref<10240x136xf32, #tpu.memory_space<hbm>>
    tpu.enqueue_indirect_dma source(%dma_start3A_17 : memref<10240x136xf32, #tpu.memory_space<hbm>>) target(%arg10 : memref<40x136xf32, #tpu.memory_space<vmem>>) offsets(%dma_start3A_14 : memref<40xi32, #tpu.memory_space<vmem>>) semaphore(%arg15 : memref<!tpu.dma_semaphore, #tpu.memory_space<semaphore_mem>>)
    %dma_start3A_18 = arith.constant 2 : i32
    %dma_start3A_19 = arith.constant 0 : i32
    %dma_start3A_20 = tpu.memref_slice %arg7[%dma_start3A_18, %dma_start3A_19] : memref<256x40xi32, #tpu.memory_space<vmem>> -> memref<1x40xi32, #tpu.memory_space<vmem>>
    %dma_start3A_21 = tpu.memref_squeeze %dma_start3A_20 : memref<1x40xi32, #tpu.memory_space<vmem>> -> memref<40xi32, #tpu.memory_space<vmem>>
    %dma_start3A_22 = arith.constant 0 : i32
    %dma_start3A_23 = arith.constant 0 : i32
    %dma_start3A_24 = tpu.memref_slice %arg2[%dma_start3A_22, %dma_start3A_23] : memref<10240x136xf32, #tpu.memory_space<hbm>> -> memref<10240x136xf32, #tpu.memory_space<hbm>>
    tpu.enqueue_indirect_dma source(%dma_start3A_24 : memref<10240x136xf32, #tpu.memory_space<hbm>>) target(%arg11 : memref<40x136xf32, #tpu.memory_space<vmem>>) offsets(%dma_start3A_21 : memref<40xi32, #tpu.memory_space<vmem>>) semaphore(%arg16 : memref<!tpu.dma_semaphore, #tpu.memory_space<semaphore_mem>>)
    %dma_start3A_25 = arith.constant 3 : i32
    %dma_start3A_26 = arith.constant 0 : i32
    %dma_start3A_27 = tpu.memref_slice %arg7[%dma_start3A_25, %dma_start3A_26] : memref<256x40xi32, #tpu.memory_space<vmem>> -> memref<1x40xi32, #tpu.memory_space<vmem>>
    %dma_start3A_28 = tpu.memref_squeeze %dma_start3A_27 : memref<1x40xi32, #tpu.memory_space<vmem>> -> memref<40xi32, #tpu.memory_space<vmem>>
    %dma_start3A_29 = arith.constant 0 : i32
    %dma_start3A_30 = arith.constant 0 : i32
    %dma_start3A_31 = tpu.memref_slice %arg2[%dma_start3A_29, %dma_start3A_30] : memref<10240x136xf32, #tpu.memory_space<hbm>> -> memref<10240x136xf32, #tpu.memory_space<hbm>>
    tpu.enqueue_indirect_dma source(%dma_start3A_31 : memref<10240x136xf32, #tpu.memory_space<hbm>>) target(%arg12 : memref<40x136xf32, #tpu.memory_space<vmem>>) offsets(%dma_start3A_28 : memref<40xi32, #tpu.memory_space<vmem>>) semaphore(%arg17 : memref<!tpu.dma_semaphore, #tpu.memory_space<semaphore_mem>>)
    %scan3A = arith.constant 0 : i32
    %scan3A_32 = arith.constant 0 : i32
    %scan3A_33 = arith.constant 64 : i32
    %scan3A_34 = arith.addi %scan3A_32, %scan3A_33 : i32
    %scan3A_35 = arith.constant 1 : i32
    scf.for %scan3A_42 = %scan3A_32 to %scan3A_34 step %scan3A_35  : i32 {
      %mul3A_43 = arith.constant 4 : i32
      %mul3A_44 = arith.muli %mul3A_43, %scan3A_42 : i32
      %add3A_45 = arith.constant 0 : i32
      %add3A_46 = arith.addi %mul3A_44, %add3A_45 : i32
      %dma_wait3A = arith.constant 0 : i32
      %dma_wait3A_47 = tpu.memref_slice %arg7[%add3A_46, %dma_wait3A] : memref<256x40xi32, #tpu.memory_space<vmem>> -> memref<1x40xi32, #tpu.memory_space<vmem>>
      %dma_wait3A_48 = tpu.memref_squeeze %dma_wait3A_47 : memref<1x40xi32, #tpu.memory_space<vmem>> -> memref<40xi32, #tpu.memory_space<vmem>>
      %dma_wait3A_49 = arith.constant 0 : i32
      %dma_wait3A_50 = arith.constant 0 : i32
      %dma_wait3A_51 = tpu.memref_slice %arg2[%dma_wait3A_49, %dma_wait3A_50] : memref<10240x136xf32, #tpu.memory_space<hbm>> -> memref<10240x136xf32, #tpu.memory_space<hbm>>
      tpu.wait_indirect_dma semaphore(%arg14 : memref<!tpu.dma_semaphore, #tpu.memory_space<semaphore_mem>>) src(%dma_wait3A_51 : memref<10240x136xf32, #tpu.memory_space<hbm>>) dst(%arg9 : memref<40x136xf32, #tpu.memory_space<vmem>>)
      "tpu.region"() ({
        %run_scoped3A = tpu.sem_alloc : memref<!tpu.dma_semaphore, #tpu.memory_space<semaphore_mem>>
        %dma_start3A_122 = arith.constant 0 : i32
        %dma_start3A_123 = tpu.memref_slice %arg8[%add3A_46, %dma_start3A_122] : memref<256x40xi32, #tpu.memory_space<vmem>> -> memref<1x40xi32, #tpu.memory_space<vmem>>
        %dma_start3A_124 = tpu.memref_squeeze %dma_start3A_123 : memref<1x40xi32, #tpu.memory_space<vmem>> -> memref<40xi32, #tpu.memory_space<vmem>>
        %dma_start3A_125 = arith.constant 0 : i32
        %dma_start3A_126 = arith.constant 0 : i32
        %dma_start3A_127 = tpu.memref_slice %arg13[%dma_start3A_125, %dma_start3A_126] : memref<10240x136xf32, #tpu.memory_space<vmem_shared>> -> memref<10240x136xf32, #tpu.memory_space<vmem_shared>>
        tpu.enqueue_indirect_dma source(%arg9 : memref<40x136xf32, #tpu.memory_space<vmem>>) target(%dma_start3A_127 : memref<10240x136xf32, #tpu.memory_space<vmem_shared>>) offsets(%dma_start3A_124 : memref<40xi32, #tpu.memory_space<vmem>>) semaphore(%run_scoped3A : memref<!tpu.dma_semaphore, #tpu.memory_space<semaphore_mem>>) {add = true}
        %dma_wait3A_128 = arith.constant 0 : i32
        %dma_wait3A_129 = tpu.memref_slice %arg8[%add3A_46, %dma_wait3A_128] : memref<256x40xi32, #tpu.memory_space<vmem>> -> memref<1x40xi32, #tpu.memory_space<vmem>>
        %dma_wait3A_130 = tpu.memref_squeeze %dma_wait3A_129 : memref<1x40xi32, #tpu.memory_space<vmem>> -> memref<40xi32, #tpu.memory_space<vmem>>
        %dma_wait3A_131 = arith.constant 0 : i32
        %dma_wait3A_132 = arith.constant 0 : i32
        %dma_wait3A_133 = tpu.memref_slice %arg13[%dma_wait3A_131, %dma_wait3A_132] : memref<10240x136xf32, #tpu.memory_space<vmem_shared>> -> memref<10240x136xf32, #tpu.memory_space<vmem_shared>>
        tpu.wait_indirect_dma semaphore(%run_scoped3A : memref<!tpu.dma_semaphore, #tpu.memory_space<semaphore_mem>>) src(%arg9 : memref<40x136xf32, #tpu.memory_space<vmem>>) dst(%dma_wait3A_133 : memref<10240x136xf32, #tpu.memory_space<vmem_shared>>)
        tpu.yield
      }) : () -> ()
      %add3A_52 = arith.constant 4 : i32
      %add3A_53 = arith.addi %add3A_46, %add3A_52 : i32
      %min3A = arith.constant 255 : i32
      %min3A_54 = arith.minsi %add3A_53, %min3A : i32
      %add3A_55 = arith.constant 4 : i32
      %add3A_56 = arith.addi %add3A_46, %add3A_55 : i32
      %lt3A = arith.constant 256 : i32
      %lt3A_57 = arith.cmpi slt, %add3A_56, %lt3A : i32
      %convert_element_type3A = arith.extui %lt3A_57 : i1 to i32
      %cond3A = arith.constant 0 : i32
      %cond3A_58 = arith.cmpi ne, %convert_element_type3A, %cond3A : i32
      scf.if %cond3A_58 {
        %dma_start3A_122 = arith.constant 0 : i32
        %dma_start3A_123 = tpu.memref_slice %arg7[%min3A_54, %dma_start3A_122] : memref<256x40xi32, #tpu.memory_space<vmem>> -> memref<1x40xi32, #tpu.memory_space<vmem>>
        %dma_start3A_124 = tpu.memref_squeeze %dma_start3A_123 : memref<1x40xi32, #tpu.memory_space<vmem>> -> memref<40xi32, #tpu.memory_space<vmem>>
        %dma_start3A_125 = arith.constant 0 : i32
        %dma_start3A_126 = arith.constant 0 : i32
        %dma_start3A_127 = tpu.memref_slice %arg2[%dma_start3A_125, %dma_start3A_126] : memref<10240x136xf32, #tpu.memory_space<hbm>> -> memref<10240x136xf32, #tpu.memory_space<hbm>>
        tpu.enqueue_indirect_dma source(%dma_start3A_127 : memref<10240x136xf32, #tpu.memory_space<hbm>>) target(%arg9 : memref<40x136xf32, #tpu.memory_space<vmem>>) offsets(%dma_start3A_124 : memref<40xi32, #tpu.memory_space<vmem>>) semaphore(%arg14 : memref<!tpu.dma_semaphore, #tpu.memory_space<semaphore_mem>>)
      } else {
      }
      %mul3A_59 = arith.constant 4 : i32
      %mul3A_60 = arith.muli %mul3A_59, %scan3A_42 : i32
      %add3A_61 = arith.constant 1 : i32
      %add3A_62 = arith.addi %mul3A_60, %add3A_61 : i32
      %dma_wait3A_63 = arith.constant 0 : i32
      %dma_wait3A_64 = tpu.memref_slice %arg7[%add3A_62, %dma_wait3A_63] : memref<256x40xi32, #tpu.memory_space<vmem>> -> memref<1x40xi32, #tpu.memory_space<vmem>>
      %dma_wait3A_65 = tpu.memref_squeeze %dma_wait3A_64 : memref<1x40xi32, #tpu.memory_space<vmem>> -> memref<40xi32, #tpu.memory_space<vmem>>
      %dma_wait3A_66 = arith.constant 0 : i32
      %dma_wait3A_67 = arith.constant 0 : i32
      %dma_wait3A_68 = tpu.memref_slice %arg2[%dma_wait3A_66, %dma_wait3A_67] : memref<10240x136xf32, #tpu.memory_space<hbm>> -> memref<10240x136xf32, #tpu.memory_space<hbm>>
      tpu.wait_indirect_dma semaphore(%arg15 : memref<!tpu.dma_semaphore, #tpu.memory_space<semaphore_mem>>) src(%dma_wait3A_68 : memref<10240x136xf32, #tpu.memory_space<hbm>>) dst(%arg10 : memref<40x136xf32, #tpu.memory_space<vmem>>)
      "tpu.region"() ({
        %run_scoped3A = tpu.sem_alloc : memref<!tpu.dma_semaphore, #tpu.memory_space<semaphore_mem>>
        %dma_start3A_122 = arith.constant 0 : i32
        %dma_start3A_123 = tpu.memref_slice %arg8[%add3A_62, %dma_start3A_122] : memref<256x40xi32, #tpu.memory_space<vmem>> -> memref<1x40xi32, #tpu.memory_space<vmem>>
        %dma_start3A_124 = tpu.memref_squeeze %dma_start3A_123 : memref<1x40xi32, #tpu.memory_space<vmem>> -> memref<40xi32, #tpu.memory_space<vmem>>
        %dma_start3A_125 = arith.constant 0 : i32
        %dma_start3A_126 = arith.constant 0 : i32
        %dma_start3A_127 = tpu.memref_slice %arg13[%dma_start3A_125, %dma_start3A_126] : memref<10240x136xf32, #tpu.memory_space<vmem_shared>> -> memref<10240x136xf32, #tpu.memory_space<vmem_shared>>
        tpu.enqueue_indirect_dma source(%arg10 : memref<40x136xf32, #tpu.memory_space<vmem>>) target(%dma_start3A_127 : memref<10240x136xf32, #tpu.memory_space<vmem_shared>>) offsets(%dma_start3A_124 : memref<40xi32, #tpu.memory_space<vmem>>) semaphore(%run_scoped3A : memref<!tpu.dma_semaphore, #tpu.memory_space<semaphore_mem>>) {add = true}
        %dma_wait3A_128 = arith.constant 0 : i32
        %dma_wait3A_129 = tpu.memref_slice %arg8[%add3A_62, %dma_wait3A_128] : memref<256x40xi32, #tpu.memory_space<vmem>> -> memref<1x40xi32, #tpu.memory_space<vmem>>
        %dma_wait3A_130 = tpu.memref_squeeze %dma_wait3A_129 : memref<1x40xi32, #tpu.memory_space<vmem>> -> memref<40xi32, #tpu.memory_space<vmem>>
        %dma_wait3A_131 = arith.constant 0 : i32
        %dma_wait3A_132 = arith.constant 0 : i32
        %dma_wait3A_133 = tpu.memref_slice %arg13[%dma_wait3A_131, %dma_wait3A_132] : memref<10240x136xf32, #tpu.memory_space<vmem_shared>> -> memref<10240x136xf32, #tpu.memory_space<vmem_shared>>
        tpu.wait_indirect_dma semaphore(%run_scoped3A : memref<!tpu.dma_semaphore, #tpu.memory_space<semaphore_mem>>) src(%arg10 : memref<40x136xf32, #tpu.memory_space<vmem>>) dst(%dma_wait3A_133 : memref<10240x136xf32, #tpu.memory_space<vmem_shared>>)
        tpu.yield
      }) : () -> ()
      %add3A_69 = arith.constant 4 : i32
      %add3A_70 = arith.addi %add3A_62, %add3A_69 : i32
      %min3A_71 = arith.constant 255 : i32
      %min3A_72 = arith.minsi %add3A_70, %min3A_71 : i32
      %add3A_73 = arith.constant 4 : i32
      %add3A_74 = arith.addi %add3A_62, %add3A_73 : i32
      %lt3A_75 = arith.constant 256 : i32
      %lt3A_76 = arith.cmpi slt, %add3A_74, %lt3A_75 : i32
      %convert_element_type3A_77 = arith.extui %lt3A_76 : i1 to i32
      %cond3A_78 = arith.constant 0 : i32
      %cond3A_79 = arith.cmpi ne, %convert_element_type3A_77, %cond3A_78 : i32
      scf.if %cond3A_79 {
        %dma_start3A_122 = arith.constant 0 : i32
        %dma_start3A_123 = tpu.memref_slice %arg7[%min3A_72, %dma_start3A_122] : memref<256x40xi32, #tpu.memory_space<vmem>> -> memref<1x40xi32, #tpu.memory_space<vmem>>
        %dma_start3A_124 = tpu.memref_squeeze %dma_start3A_123 : memref<1x40xi32, #tpu.memory_space<vmem>> -> memref<40xi32, #tpu.memory_space<vmem>>
        %dma_start3A_125 = arith.constant 0 : i32
        %dma_start3A_126 = arith.constant 0 : i32
        %dma_start3A_127 = tpu.memref_slice %arg2[%dma_start3A_125, %dma_start3A_126] : memref<10240x136xf32, #tpu.memory_space<hbm>> -> memref<10240x136xf32, #tpu.memory_space<hbm>>
        tpu.enqueue_indirect_dma source(%dma_start3A_127 : memref<10240x136xf32, #tpu.memory_space<hbm>>) target(%arg10 : memref<40x136xf32, #tpu.memory_space<vmem>>) offsets(%dma_start3A_124 : memref<40xi32, #tpu.memory_space<vmem>>) semaphore(%arg15 : memref<!tpu.dma_semaphore, #tpu.memory_space<semaphore_mem>>)
      } else {
      }
      %mul3A_80 = arith.constant 4 : i32
      %mul3A_81 = arith.muli %mul3A_80, %scan3A_42 : i32
      %add3A_82 = arith.constant 2 : i32
      %add3A_83 = arith.addi %mul3A_81, %add3A_82 : i32
      %dma_wait3A_84 = arith.constant 0 : i32
      %dma_wait3A_85 = tpu.memref_slice %arg7[%add3A_83, %dma_wait3A_84] : memref<256x40xi32, #tpu.memory_space<vmem>> -> memref<1x40xi32, #tpu.memory_space<vmem>>
      %dma_wait3A_86 = tpu.memref_squeeze %dma_wait3A_85 : memref<1x40xi32, #tpu.memory_space<vmem>> -> memref<40xi32, #tpu.memory_space<vmem>>
      %dma_wait3A_87 = arith.constant 0 : i32
      %dma_wait3A_88 = arith.constant 0 : i32
      %dma_wait3A_89 = tpu.memref_slice %arg2[%dma_wait3A_87, %dma_wait3A_88] : memref<10240x136xf32, #tpu.memory_space<hbm>> -> memref<10240x136xf32, #tpu.memory_space<hbm>>
      tpu.wait_indirect_dma semaphore(%arg16 : memref<!tpu.dma_semaphore, #tpu.memory_space<semaphore_mem>>) src(%dma_wait3A_89 : memref<10240x136xf32, #tpu.memory_space<hbm>>) dst(%arg11 : memref<40x136xf32, #tpu.memory_space<vmem>>)
      "tpu.region"() ({
        %run_scoped3A = tpu.sem_alloc : memref<!tpu.dma_semaphore, #tpu.memory_space<semaphore_mem>>
        %dma_start3A_122 = arith.constant 0 : i32
        %dma_start3A_123 = tpu.memref_slice %arg8[%add3A_83, %dma_start3A_122] : memref<256x40xi32, #tpu.memory_space<vmem>> -> memref<1x40xi32, #tpu.memory_space<vmem>>
        %dma_start3A_124 = tpu.memref_squeeze %dma_start3A_123 : memref<1x40xi32, #tpu.memory_space<vmem>> -> memref<40xi32, #tpu.memory_space<vmem>>
        %dma_start3A_125 = arith.constant 0 : i32
        %dma_start3A_126 = arith.constant 0 : i32
        %dma_start3A_127 = tpu.memref_slice %arg13[%dma_start3A_125, %dma_start3A_126] : memref<10240x136xf32, #tpu.memory_space<vmem_shared>> -> memref<10240x136xf32, #tpu.memory_space<vmem_shared>>
        tpu.enqueue_indirect_dma source(%arg11 : memref<40x136xf32, #tpu.memory_space<vmem>>) target(%dma_start3A_127 : memref<10240x136xf32, #tpu.memory_space<vmem_shared>>) offsets(%dma_start3A_124 : memref<40xi32, #tpu.memory_space<vmem>>) semaphore(%run_scoped3A : memref<!tpu.dma_semaphore, #tpu.memory_space<semaphore_mem>>) {add = true}
        %dma_wait3A_128 = arith.constant 0 : i32
        %dma_wait3A_129 = tpu.memref_slice %arg8[%add3A_83, %dma_wait3A_128] : memref<256x40xi32, #tpu.memory_space<vmem>> -> memref<1x40xi32, #tpu.memory_space<vmem>>
        %dma_wait3A_130 = tpu.memref_squeeze %dma_wait3A_129 : memref<1x40xi32, #tpu.memory_space<vmem>> -> memref<40xi32, #tpu.memory_space<vmem>>
        %dma_wait3A_131 = arith.constant 0 : i32
        %dma_wait3A_132 = arith.constant 0 : i32
        %dma_wait3A_133 = tpu.memref_slice %arg13[%dma_wait3A_131, %dma_wait3A_132] : memref<10240x136xf32, #tpu.memory_space<vmem_shared>> -> memref<10240x136xf32, #tpu.memory_space<vmem_shared>>
        tpu.wait_indirect_dma semaphore(%run_scoped3A : memref<!tpu.dma_semaphore, #tpu.memory_space<semaphore_mem>>) src(%arg11 : memref<40x136xf32, #tpu.memory_space<vmem>>) dst(%dma_wait3A_133 : memref<10240x136xf32, #tpu.memory_space<vmem_shared>>)
        tpu.yield
      }) : () -> ()
      %add3A_90 = arith.constant 4 : i32
      %add3A_91 = arith.addi %add3A_83, %add3A_90 : i32
      %min3A_92 = arith.constant 255 : i32
      %min3A_93 = arith.minsi %add3A_91, %min3A_92 : i32
      %add3A_94 = arith.constant 4 : i32
      %add3A_95 = arith.addi %add3A_83, %add3A_94 : i32
      %lt3A_96 = arith.constant 256 : i32
      %lt3A_97 = arith.cmpi slt, %add3A_95, %lt3A_96 : i32
      %convert_element_type3A_98 = arith.extui %lt3A_97 : i1 to i32
      %cond3A_99 = arith.constant 0 : i32
      %cond3A_100 = arith.cmpi ne, %convert_element_type3A_98, %cond3A_99 : i32
      scf.if %cond3A_100 {
        %dma_start3A_122 = arith.constant 0 : i32
        %dma_start3A_123 = tpu.memref_slice %arg7[%min3A_93, %dma_start3A_122] : memref<256x40xi32, #tpu.memory_space<vmem>> -> memref<1x40xi32, #tpu.memory_space<vmem>>
        %dma_start3A_124 = tpu.memref_squeeze %dma_start3A_123 : memref<1x40xi32, #tpu.memory_space<vmem>> -> memref<40xi32, #tpu.memory_space<vmem>>
        %dma_start3A_125 = arith.constant 0 : i32
        %dma_start3A_126 = arith.constant 0 : i32
        %dma_start3A_127 = tpu.memref_slice %arg2[%dma_start3A_125, %dma_start3A_126] : memref<10240x136xf32, #tpu.memory_space<hbm>> -> memref<10240x136xf32, #tpu.memory_space<hbm>>
        tpu.enqueue_indirect_dma source(%dma_start3A_127 : memref<10240x136xf32, #tpu.memory_space<hbm>>) target(%arg11 : memref<40x136xf32, #tpu.memory_space<vmem>>) offsets(%dma_start3A_124 : memref<40xi32, #tpu.memory_space<vmem>>) semaphore(%arg16 : memref<!tpu.dma_semaphore, #tpu.memory_space<semaphore_mem>>)
      } else {
      }
      %mul3A_101 = arith.constant 4 : i32
      %mul3A_102 = arith.muli %mul3A_101, %scan3A_42 : i32
      %add3A_103 = arith.constant 3 : i32
      %add3A_104 = arith.addi %mul3A_102, %add3A_103 : i32
      %dma_wait3A_105 = arith.constant 0 : i32
      %dma_wait3A_106 = tpu.memref_slice %arg7[%add3A_104, %dma_wait3A_105] : memref<256x40xi32, #tpu.memory_space<vmem>> -> memref<1x40xi32, #tpu.memory_space<vmem>>
      %dma_wait3A_107 = tpu.memref_squeeze %dma_wait3A_106 : memref<1x40xi32, #tpu.memory_space<vmem>> -> memref<40xi32, #tpu.memory_space<vmem>>
      %dma_wait3A_108 = arith.constant 0 : i32
      %dma_wait3A_109 = arith.constant 0 : i32
      %dma_wait3A_110 = tpu.memref_slice %arg2[%dma_wait3A_108, %dma_wait3A_109] : memref<10240x136xf32, #tpu.memory_space<hbm>> -> memref<10240x136xf32, #tpu.memory_space<hbm>>
      tpu.wait_indirect_dma semaphore(%arg17 : memref<!tpu.dma_semaphore, #tpu.memory_space<semaphore_mem>>) src(%dma_wait3A_110 : memref<10240x136xf32, #tpu.memory_space<hbm>>) dst(%arg12 : memref<40x136xf32, #tpu.memory_space<vmem>>)
      "tpu.region"() ({
        %run_scoped3A = tpu.sem_alloc : memref<!tpu.dma_semaphore, #tpu.memory_space<semaphore_mem>>
        %dma_start3A_122 = arith.constant 0 : i32
        %dma_start3A_123 = tpu.memref_slice %arg8[%add3A_104, %dma_start3A_122] : memref<256x40xi32, #tpu.memory_space<vmem>> -> memref<1x40xi32, #tpu.memory_space<vmem>>
        %dma_start3A_124 = tpu.memref_squeeze %dma_start3A_123 : memref<1x40xi32, #tpu.memory_space<vmem>> -> memref<40xi32, #tpu.memory_space<vmem>>
        %dma_start3A_125 = arith.constant 0 : i32
        %dma_start3A_126 = arith.constant 0 : i32
        %dma_start3A_127 = tpu.memref_slice %arg13[%dma_start3A_125, %dma_start3A_126] : memref<10240x136xf32, #tpu.memory_space<vmem_shared>> -> memref<10240x136xf32, #tpu.memory_space<vmem_shared>>
        tpu.enqueue_indirect_dma source(%arg12 : memref<40x136xf32, #tpu.memory_space<vmem>>) target(%dma_start3A_127 : memref<10240x136xf32, #tpu.memory_space<vmem_shared>>) offsets(%dma_start3A_124 : memref<40xi32, #tpu.memory_space<vmem>>) semaphore(%run_scoped3A : memref<!tpu.dma_semaphore, #tpu.memory_space<semaphore_mem>>) {add = true}
        %dma_wait3A_128 = arith.constant 0 : i32
        %dma_wait3A_129 = tpu.memref_slice %arg8[%add3A_104, %dma_wait3A_128] : memref<256x40xi32, #tpu.memory_space<vmem>> -> memref<1x40xi32, #tpu.memory_space<vmem>>
        %dma_wait3A_130 = tpu.memref_squeeze %dma_wait3A_129 : memref<1x40xi32, #tpu.memory_space<vmem>> -> memref<40xi32, #tpu.memory_space<vmem>>
        %dma_wait3A_131 = arith.constant 0 : i32
        %dma_wait3A_132 = arith.constant 0 : i32
        %dma_wait3A_133 = tpu.memref_slice %arg13[%dma_wait3A_131, %dma_wait3A_132] : memref<10240x136xf32, #tpu.memory_space<vmem_shared>> -> memref<10240x136xf32, #tpu.memory_space<vmem_shared>>
        tpu.wait_indirect_dma semaphore(%run_scoped3A : memref<!tpu.dma_semaphore, #tpu.memory_space<semaphore_mem>>) src(%arg12 : memref<40x136xf32, #tpu.memory_space<vmem>>) dst(%dma_wait3A_133 : memref<10240x136xf32, #tpu.memory_space<vmem_shared>>)
        tpu.yield
      }) : () -> ()
      %add3A_111 = arith.constant 4 : i32
      %add3A_112 = arith.addi %add3A_104, %add3A_111 : i32
      %min3A_113 = arith.constant 255 : i32
      %min3A_114 = arith.minsi %add3A_112, %min3A_113 : i32
      %add3A_115 = arith.constant 4 : i32
      %add3A_116 = arith.addi %add3A_104, %add3A_115 : i32
      %lt3A_117 = arith.constant 256 : i32
      %lt3A_118 = arith.cmpi slt, %add3A_116, %lt3A_117 : i32
      %convert_element_type3A_119 = arith.extui %lt3A_118 : i1 to i32
      %cond3A_120 = arith.constant 0 : i32
      %cond3A_121 = arith.cmpi ne, %convert_element_type3A_119, %cond3A_120 : i32
      scf.if %cond3A_121 {
        %dma_start3A_122 = arith.constant 0 : i32
        %dma_start3A_123 = tpu.memref_slice %arg7[%min3A_114, %dma_start3A_122] : memref<256x40xi32, #tpu.memory_space<vmem>> -> memref<1x40xi32, #tpu.memory_space<vmem>>
        %dma_start3A_124 = tpu.memref_squeeze %dma_start3A_123 : memref<1x40xi32, #tpu.memory_space<vmem>> -> memref<40xi32, #tpu.memory_space<vmem>>
        %dma_start3A_125 = arith.constant 0 : i32
        %dma_start3A_126 = arith.constant 0 : i32
        %dma_start3A_127 = tpu.memref_slice %arg2[%dma_start3A_125, %dma_start3A_126] : memref<10240x136xf32, #tpu.memory_space<hbm>> -> memref<10240x136xf32, #tpu.memory_space<hbm>>
        tpu.enqueue_indirect_dma source(%dma_start3A_127 : memref<10240x136xf32, #tpu.memory_space<hbm>>) target(%arg12 : memref<40x136xf32, #tpu.memory_space<vmem>>) offsets(%dma_start3A_124 : memref<40xi32, #tpu.memory_space<vmem>>) semaphore(%arg17 : memref<!tpu.dma_semaphore, #tpu.memory_space<semaphore_mem>>)
      } else {
      }
    }
    %scan3A_36 = arith.constant 64 : i32
    %barrier3A_37 = arith.constant 0 : index
    tpu.barrier barrier_id(%barrier3A_37)
    %mul3A_38 = arith.constant 640 : i32
    %mul3A_39 = arith.muli %arg1, %mul3A_38 : i32
    %mul3A_40 = arith.constant 640 : i32
    %mul3A_41 = arith.muli %arg1, %mul3A_40 : i32
    "tpu.region"() ({
      %run_scoped3A = tpu.sem_alloc : memref<!tpu.dma_semaphore, #tpu.memory_space<semaphore_mem>>
      %dma_start3A_42 = arith.constant 0 : i32
      %dma_start3A_43 = tpu.memref_slice %arg6[%arg0, %mul3A_41, %dma_start3A_42] : memref<2x10240x136xf32, #tpu.memory_space<hbm>> -> memref<1x640x136xf32, #tpu.memory_space<hbm>>
      %dma_start3A_44 = tpu.memref_squeeze %dma_start3A_43 : memref<1x640x136xf32, #tpu.memory_space<hbm>> -> memref<640x136xf32, #tpu.memory_space<hbm>>
      %dma_start3A_45 = arith.constant 0 : i32
      %dma_start3A_46 = tpu.memref_slice %arg13[%mul3A_39, %dma_start3A_45] : memref<10240x136xf32, #tpu.memory_space<vmem_shared>> -> memref<640x136xf32, #tpu.memory_space<vmem_shared>>
      tpu.enqueue_dma source(%dma_start3A_46 : memref<640x136xf32, #tpu.memory_space<vmem_shared>>) target(%dma_start3A_44 : memref<640x136xf32, #tpu.memory_space<hbm>>) target_semaphore(%run_scoped3A : memref<!tpu.dma_semaphore, #tpu.memory_space<semaphore_mem>>)
      %dma_wait3A = arith.constant 0 : i32
      %dma_wait3A_47 = tpu.memref_slice %arg6[%arg0, %mul3A_41, %dma_wait3A] : memref<2x10240x136xf32, #tpu.memory_space<hbm>> -> memref<1x640x136xf32, #tpu.memory_space<hbm>>
      %dma_wait3A_48 = tpu.memref_squeeze %dma_wait3A_47 : memref<1x640x136xf32, #tpu.memory_space<hbm>> -> memref<640x136xf32, #tpu.memory_space<hbm>>
      %dma_wait3A_49 = arith.constant 0 : i32
      %dma_wait3A_50 = tpu.memref_slice %arg13[%mul3A_39, %dma_wait3A_49] : memref<10240x136xf32, #tpu.memory_space<vmem_shared>> -> memref<640x136xf32, #tpu.memory_space<vmem_shared>>
      tpu.wait_dma2 semaphore(%run_scoped3A : memref<!tpu.dma_semaphore, #tpu.memory_space<semaphore_mem>>) src(%dma_wait3A_50 : memref<640x136xf32, #tpu.memory_space<vmem_shared>>) dst(%dma_wait3A_48 : memref<640x136xf32, #tpu.memory_space<hbm>>)
      tpu.yield
    }) : () -> ()
    return
  }
}

module attributes {stable_mosaic.version = 14 : i64} {
  func.func @_tc1_body(%arg0: i32, %arg1: memref<2x2048x136xf32, #tpu.memory_space<vmem>>, %arg2: memref<2048x128xf32, #tpu.memory_space<vmem>>, %arg3: memref<128x256xf32, #tpu.memory_space<vmem>>, %arg4: memref<128x256xf32, #tpu.memory_space<vmem>>, %arg5: memref<1x256xf32, #tpu.memory_space<vmem>>, %arg6: memref<256x128xf32, #tpu.memory_space<vmem>>, %arg7: memref<256x128xf32, #tpu.memory_space<vmem>>, %arg8: memref<1x128xf32, #tpu.memory_space<vmem>>, %arg9: memref<2048x128xf32, #tpu.memory_space<vmem>>, %arg10: memref<2048x128xf32, #tpu.memory_space<vmem>>, %arg11: memref<2048x1xf32, #tpu.memory_space<vmem>>) attributes {dimension_semantics = [#tpu.dimension_semantics<arbitrary>], iteration_bounds = array<i64: 5>, scalar_prefetch = 0 : i64, scratch_operands = 0 : i64, tpu.core_type = #tpu.core_type<tc>, window_params = [{transform_indices = @transform_0, window_bounds = array<i64: 2, 2048, 136>}, {transform_indices = @transform_1, window_bounds = array<i64: 2048, 128>}, {pipeline_mode = #tpu.pipeline_mode<synchronous>, transform_indices = @transform_2, window_bounds = array<i64: 128, 256>}, {pipeline_mode = #tpu.pipeline_mode<synchronous>, transform_indices = @transform_3, window_bounds = array<i64: 128, 256>}, {pipeline_mode = #tpu.pipeline_mode<synchronous>, transform_indices = @transform_4, window_bounds = array<i64: 1, 256>}, {pipeline_mode = #tpu.pipeline_mode<synchronous>, transform_indices = @transform_5, window_bounds = array<i64: 256, 128>}, {pipeline_mode = #tpu.pipeline_mode<synchronous>, transform_indices = @transform_6, window_bounds = array<i64: 256, 128>}, {pipeline_mode = #tpu.pipeline_mode<synchronous>, transform_indices = @transform_7, window_bounds = array<i64: 1, 128>}, {transform_indices = @transform_8, window_bounds = array<i64: 2048, 128>}, {transform_indices = @transform_9, window_bounds = array<i64: 2048, 128>}, {transform_indices = @transform_10, window_bounds = array<i64: 2048, 1>}]} {
    %get3A = arith.constant 0 : index
    %get3A_0 = arith.constant 0 : index
    %get3A_1 = arith.constant 0 : index
    %get3A_2 = vector.load %arg1[%get3A, %get3A_0, %get3A_1] : memref<2x2048x136xf32, #tpu.memory_space<vmem>>, vector<1x2048x136xf32>
    %get3A_3 = vector.shape_cast %get3A_2 : vector<1x2048x136xf32> to vector<2048x136xf32>
    %get3A_4 = arith.constant 1 : index
    %get3A_5 = arith.constant 0 : index
    %get3A_6 = arith.constant 0 : index
    %get3A_7 = vector.load %arg1[%get3A_4, %get3A_5, %get3A_6] : memref<2x2048x136xf32, #tpu.memory_space<vmem>>, vector<1x2048x136xf32>
    %get3A_8 = vector.shape_cast %get3A_7 : vector<1x2048x136xf32> to vector<2048x136xf32>
    %add3A = arith.addf %get3A_3, %get3A_8 : vector<2048x136xf32>
    %slice3A = vector.extract_strided_slice %add3A {offsets = [0, 128], sizes = [2048, 1], strides = [1, 1]} : vector<2048x136xf32> to vector<2048x1xf32>
    %max3A = arith.constant 1.000000e+00 : f32
    %max3A_9 = vector.broadcast %max3A : f32 to vector<2048x1xf32>
    %max3A_10 = arith.maximumf %slice3A, %max3A_9 : vector<2048x1xf32>
    %div3A = arith.constant 1.000000e+00 : f32
    %div3A_11 = vector.broadcast %div3A : f32 to vector<2048x1xf32>
    %div3A_12 = arith.divf %div3A_11, %max3A_10 : vector<2048x1xf32>
    %slice3A_13 = vector.extract_strided_slice %add3A {offsets = [0, 0], sizes = [2048, 128], strides = [1, 1]} : vector<2048x136xf32> to vector<2048x128xf32>
    %mul3A = vector.broadcast %div3A_12 : vector<2048x1xf32> to vector<2048x128xf32>
    %mul3A_14 = arith.mulf %slice3A_13, %mul3A : vector<2048x128xf32>
    %get3A_15 = arith.constant 0 : index
    %get3A_16 = arith.constant 0 : index
    %get3A_17 = vector.load %arg3[%get3A_15, %get3A_16] : memref<128x256xf32, #tpu.memory_space<vmem>>, vector<128x256xf32>
    %dot_general3A = arith.constant dense<0.000000e+00> : vector<2048x256xf32>
    %dot_general3A_18 = tpu.matmul %mul3A_14, %get3A_17, %dot_general3A {dimension_numbers = #tpu.dot_dimension_numbers<[1], [0], [0], [1], [0, 0, 1, 1], [], []>, transpose_lhs_hint = false} : vector<2048x128xf32>, vector<128x256xf32>, vector<2048x256xf32> -> vector<2048x256xf32>
    %get3A_19 = arith.constant 0 : index
    %get3A_20 = arith.constant 0 : index
    %get3A_21 = vector.load %arg2[%get3A_19, %get3A_20] : memref<2048x128xf32, #tpu.memory_space<vmem>>, vector<2048x128xf32>
    %get3A_22 = arith.constant 0 : index
    %get3A_23 = arith.constant 0 : index
    %get3A_24 = vector.load %arg4[%get3A_22, %get3A_23] : memref<128x256xf32, #tpu.memory_space<vmem>>, vector<128x256xf32>
    %dot_general3A_25 = arith.constant dense<0.000000e+00> : vector<2048x256xf32>
    %dot_general3A_26 = tpu.matmul %get3A_21, %get3A_24, %dot_general3A_25 {dimension_numbers = #tpu.dot_dimension_numbers<[1], [0], [0], [1], [0, 0, 1, 1], [], []>, transpose_lhs_hint = false} : vector<2048x128xf32>, vector<128x256xf32>, vector<2048x256xf32> -> vector<2048x256xf32>
    %add3A_27 = arith.addf %dot_general3A_18, %dot_general3A_26 : vector<2048x256xf32>
    %get3A_28 = arith.constant 0 : index
    %get3A_29 = arith.constant 0 : index
    %get3A_30 = vector.load %arg5[%get3A_28, %get3A_29] : memref<1x256xf32, #tpu.memory_space<vmem>>, vector<1x256xf32>
    %add3A_31 = vector.broadcast %get3A_30 : vector<1x256xf32> to vector<2048x256xf32>
    %add3A_32 = arith.addf %add3A_27, %add3A_31 : vector<2048x256xf32>
    %max3A_33 = arith.constant 0.000000e+00 : f32
    %max3A_34 = vector.broadcast %max3A_33 : f32 to vector<2048x256xf32>
    %max3A_35 = arith.maximumf %add3A_32, %max3A_34 : vector<2048x256xf32>
    %get3A_36 = arith.constant 0 : index
    %get3A_37 = arith.constant 0 : index
    %get3A_38 = vector.load %arg6[%get3A_36, %get3A_37] : memref<256x128xf32, #tpu.memory_space<vmem>>, vector<256x128xf32>
    %dot_general3A_39 = arith.constant dense<0.000000e+00> : vector<2048x128xf32>
    %dot_general3A_40 = tpu.matmul %max3A_35, %get3A_38, %dot_general3A_39 {dimension_numbers = #tpu.dot_dimension_numbers<[1], [0], [0], [1], [0, 0, 1, 1], [], []>, transpose_lhs_hint = false} : vector<2048x256xf32>, vector<256x128xf32>, vector<2048x128xf32> -> vector<2048x128xf32>
    %swap3A = arith.constant 0 : index
    %swap3A_41 = arith.constant 0 : index
    %swap3A_42 = vector.load %arg9[%swap3A, %swap3A_41] : memref<2048x128xf32, #tpu.memory_space<vmem>>, vector<2048x128xf32>
    tpu.vector_store %arg9[%swap3A, %swap3A_41], %dot_general3A_40 {strides = array<i32>} : memref<2048x128xf32, #tpu.memory_space<vmem>>, vector<2048x128xf32>,
    %get3A_43 = arith.constant 0 : index
    %get3A_44 = arith.constant 0 : index
    %get3A_45 = vector.load %arg7[%get3A_43, %get3A_44] : memref<256x128xf32, #tpu.memory_space<vmem>>, vector<256x128xf32>
    %dot_general3A_46 = arith.constant dense<0.000000e+00> : vector<2048x128xf32>
    %dot_general3A_47 = tpu.matmul %max3A_35, %get3A_45, %dot_general3A_46 {dimension_numbers = #tpu.dot_dimension_numbers<[1], [0], [0], [1], [0, 0, 1, 1], [], []>, transpose_lhs_hint = false} : vector<2048x256xf32>, vector<256x128xf32>, vector<2048x128xf32> -> vector<2048x128xf32>
    %get3A_48 = arith.constant 0 : index
    %get3A_49 = arith.constant 0 : index
    %get3A_50 = vector.load %arg8[%get3A_48, %get3A_49] : memref<1x128xf32, #tpu.memory_space<vmem>>, vector<1x128xf32>
    %add3A_51 = vector.broadcast %get3A_50 : vector<1x128xf32> to vector<2048x128xf32>
    %add3A_52 = arith.addf %dot_general3A_47, %add3A_51 : vector<2048x128xf32>
    %swap3A_53 = arith.constant 0 : index
    %swap3A_54 = arith.constant 0 : index
    %swap3A_55 = vector.load %arg10[%swap3A_53, %swap3A_54] : memref<2048x128xf32, #tpu.memory_space<vmem>>, vector<2048x128xf32>
    tpu.vector_store %arg10[%swap3A_53, %swap3A_54], %add3A_52 {strides = array<i32>} : memref<2048x128xf32, #tpu.memory_space<vmem>>, vector<2048x128xf32>,
    %swap3A_56 = arith.constant 0 : index
    %swap3A_57 = arith.constant 0 : index
    %swap3A_58 = vector.load %arg11[%swap3A_56, %swap3A_57] : memref<2048x1xf32, #tpu.memory_space<vmem>>, vector<2048x1xf32>
    tpu.vector_store %arg11[%swap3A_56, %swap3A_57], %div3A_12 {strides = array<i32>} : memref<2048x1xf32, #tpu.memory_space<vmem>>, vector<2048x1xf32>,
    return
  }
  func.func @transform_0(%arg0: i32) -> (i32, i32, i32) {
    %c0_i32 = arith.constant 0 : i32
    %c0_i32_0 = arith.constant 0 : i32
    %c0_i32_1 = arith.constant 0 : i32
    return %c0_i32, %arg0, %c0_i32_0 : i32, i32, i32
  }
  func.func @transform_1(%arg0: i32) -> (i32, i32) {
    %c0_i32 = arith.constant 0 : i32
    %c0_i32_0 = arith.constant 0 : i32
    return %arg0, %c0_i32 : i32, i32
  }
  func.func @transform_2(%arg0: i32) -> (i32, i32) {
    %c0_i32 = arith.constant 0 : i32
    %c0_i32_0 = arith.constant 0 : i32
    %c0_i32_1 = arith.constant 0 : i32
    return %c0_i32, %c0_i32_0 : i32, i32
  }
  func.func @transform_3(%arg0: i32) -> (i32, i32) {
    %c0_i32 = arith.constant 0 : i32
    %c0_i32_0 = arith.constant 0 : i32
    %c0_i32_1 = arith.constant 0 : i32
    return %c0_i32, %c0_i32_0 : i32, i32
  }
  func.func @transform_4(%arg0: i32) -> (i32, i32) {
    %c0_i32 = arith.constant 0 : i32
    %c0_i32_0 = arith.constant 0 : i32
    %c0_i32_1 = arith.constant 0 : i32
    return %c0_i32, %c0_i32_0 : i32, i32
  }
  func.func @transform_5(%arg0: i32) -> (i32, i32) {
    %c0_i32 = arith.constant 0 : i32
    %c0_i32_0 = arith.constant 0 : i32
    %c0_i32_1 = arith.constant 0 : i32
    return %c0_i32, %c0_i32_0 : i32, i32
  }
  func.func @transform_6(%arg0: i32) -> (i32, i32) {
    %c0_i32 = arith.constant 0 : i32
    %c0_i32_0 = arith.constant 0 : i32
    %c0_i32_1 = arith.constant 0 : i32
    return %c0_i32, %c0_i32_0 : i32, i32
  }
  func.func @transform_7(%arg0: i32) -> (i32, i32) {
    %c0_i32 = arith.constant 0 : i32
    %c0_i32_0 = arith.constant 0 : i32
    %c0_i32_1 = arith.constant 0 : i32
    return %c0_i32, %c0_i32_0 : i32, i32
  }
  func.func @transform_8(%arg0: i32) -> (i32, i32) {
    %c0_i32 = arith.constant 0 : i32
    %c0_i32_0 = arith.constant 0 : i32
    return %arg0, %c0_i32 : i32, i32
  }
  func.func @transform_9(%arg0: i32) -> (i32, i32) {
    %c0_i32 = arith.constant 0 : i32
    %c0_i32_0 = arith.constant 0 : i32
    return %arg0, %c0_i32 : i32, i32
  }
  func.func @transform_10(%arg0: i32) -> (i32, i32) {
    %c0_i32 = arith.constant 0 : i32
    %c0_i32_0 = arith.constant 0 : i32
    return %arg0, %c0_i32 : i32, i32
  }
}

module attributes {stable_mosaic.version = 14 : i64} {
  func.func @_tc2_body(%arg0: i32, %arg1: memref<2x2000x128xf32, #tpu.memory_space<vmem>>, %arg2: memref<2000x128xf32, #tpu.memory_space<vmem>>, %arg3: memref<2000x1xf32, #tpu.memory_space<vmem>>, %arg4: memref<2000x128xf32, #tpu.memory_space<vmem>>) attributes {dimension_semantics = [#tpu.dimension_semantics<arbitrary>], iteration_bounds = array<i64: 5>, scalar_prefetch = 0 : i64, scratch_operands = 0 : i64, tpu.core_type = #tpu.core_type<tc>, window_params = [{transform_indices = @transform_0, window_bounds = array<i64: 2, 2000, 128>}, {transform_indices = @transform_1, window_bounds = array<i64: 2000, 128>}, {transform_indices = @transform_2, window_bounds = array<i64: 2000, 1>}, {transform_indices = @transform_3, window_bounds = array<i64: 2000, 128>}]} {
    %get3A = arith.constant 0 : index
    %get3A_0 = arith.constant 0 : index
    %get3A_1 = arith.constant 0 : index
    %get3A_2 = vector.load %arg1[%get3A, %get3A_0, %get3A_1] : memref<2x2000x128xf32, #tpu.memory_space<vmem>>, vector<1x2000x128xf32>
    %get3A_3 = vector.shape_cast %get3A_2 : vector<1x2000x128xf32> to vector<2000x128xf32>
    %get3A_4 = arith.constant 1 : index
    %get3A_5 = arith.constant 0 : index
    %get3A_6 = arith.constant 0 : index
    %get3A_7 = vector.load %arg1[%get3A_4, %get3A_5, %get3A_6] : memref<2x2000x128xf32, #tpu.memory_space<vmem>>, vector<1x2000x128xf32>
    %get3A_8 = vector.shape_cast %get3A_7 : vector<1x2000x128xf32> to vector<2000x128xf32>
    %add3A = arith.addf %get3A_3, %get3A_8 : vector<2000x128xf32>
    %get3A_9 = arith.constant 0 : index
    %get3A_10 = arith.constant 0 : index
    %get3A_11 = vector.load %arg3[%get3A_9, %get3A_10] : memref<2000x1xf32, #tpu.memory_space<vmem>>, vector<2000x1xf32>
    %mul3A = vector.broadcast %get3A_11 : vector<2000x1xf32> to vector<2000x128xf32>
    %mul3A_12 = arith.mulf %add3A, %mul3A : vector<2000x128xf32>
    %get3A_13 = arith.constant 0 : index
    %get3A_14 = arith.constant 0 : index
    %get3A_15 = vector.load %arg2[%get3A_13, %get3A_14] : memref<2000x128xf32, #tpu.memory_space<vmem>>, vector<2000x128xf32>
    %add3A_16 = arith.addf %mul3A_12, %get3A_15 : vector<2000x128xf32>
    %swap3A = arith.constant 0 : index
    %swap3A_17 = arith.constant 0 : index
    %swap3A_18 = vector.load %arg4[%swap3A, %swap3A_17] : memref<2000x128xf32, #tpu.memory_space<vmem>>, vector<2000x128xf32>
    tpu.vector_store %arg4[%swap3A, %swap3A_17], %add3A_16 {strides = array<i32>} : memref<2000x128xf32, #tpu.memory_space<vmem>>, vector<2000x128xf32>,
    return
  }
  func.func @transform_0(%arg0: i32) -> (i32, i32, i32) {
    %c0_i32 = arith.constant 0 : i32
    %c0_i32_0 = arith.constant 0 : i32
    %c0_i32_1 = arith.constant 0 : i32
    return %c0_i32, %arg0, %c0_i32_0 : i32, i32, i32
  }
  func.func @transform_1(%arg0: i32) -> (i32, i32) {
    %c0_i32 = arith.constant 0 : i32
    %c0_i32_0 = arith.constant 0 : i32
    return %arg0, %c0_i32 : i32, i32
  }
  func.func @transform_2(%arg0: i32) -> (i32, i32) {
    %c0_i32 = arith.constant 0 : i32
    %c0_i32_0 = arith.constant 0 : i32
    return %arg0, %c0_i32 : i32, i32
  }
  func.func @transform_3(%arg0: i32) -> (i32, i32) {
    %c0_i32 = arith.constant 0 : i32
    %c0_i32_0 = arith.constant 0 : i32
    return %arg0, %c0_i32 : i32, i32
  }
}

</mosaic_0001>

<sc_bundles>
// kernel: kernel.6.cloned.1.call-start
scs
__scs_entry_jumppad:
0x0: {  	(pc) =	sbr.rel $0x88, $3  }
0x1: {  	(tag) =	ssettag $0x0;
	lr =	simm.s32 $0x1  }
0x2: {  	[smem:$0x3F99] =	sst lr;
	_ =	strace $0xD0000000  }
0x3: {  	_ = 	snop  }
0x4: {  	_ = 	snop  }
0x5: {  	_ = 	snop  }
0x6: {  	_ = 	snop  }
0x7: {  	_ = 	snop  }
__scs_overlays_trampoline_lowered:
0x8: {  	[smem:$0x3FA8] =	sst s0  }
0x9: {  	[smem:$0x3FA9] =	sst s1  }
0xa: {  	[smem:$0x3FAA] =	sst s2  }
0xb: {  	[smem:$0x3FAB] =	sst s3  }
0xc: {  	[smem:$0x3FAC] =	sst s4  }
0xd: {  	[smem:$0x3FAD] =	sst s5  }
0xe: {  	[smem:$0x3FAE] =	sst s6  }
0xf: {  	[smem:$0x3FAF] =	sst s7  }
0x10: {  	[smem:$0x3FB0] =	sst s8  }
0x11: {  	[smem:$0x3FB1] =	sst s9;
	s0 =	simm.s32 @!p0 $0x0  }
0x12: {  	s1 =	sld [smem:$0x3F97];
	s0 =	simm.s32 @p0 $0x1  }
0x13: {  	[smem:$0x3FB2] =	sst s0;
	s0 =	simm.s32 @!p1 $0x0  }
0x14: {  	s2 =	sld [smem:$0x3F96];
	s0 =	simm.s32 @p1 $0x1  }
0x15: {  	[smem:$0x3FB3] =	sst s0;
	s0 =	simm.s32 @!p2 $0x0  }
0x16: {  	s3 =	sld [smem:$0x3FDB];
	s0 =	simm.s32 @p2 $0x1  }
0x17: {  	s4 =	simm.s32 $0x1BF5;
	[smem:$0x3FB5] =	sst s0  }
0x18: {  	s0 =	sld [smem:$0x3F98];
	_ =	swait.ge [sflag:s4], $0x0  }
0x19: {  	s7 =	sld [smem:$0x3F99]  }
0x1a: {  	s8 =	sadd.s32 $0xFFFFE003, lr  }
0x1b: {  	s9 =	sadd.s32 $0xFFFFFEF7, lr;
	s5 =	simm.s32 $0xFFFFFFFF;
	p2 =	slt.u32 s8, $0xFFFFF086  }
0x1c: {  	p1 =	slt.u32 s9, $0xF7A;
	s5 =	simm.s32 @!p2 $0x0  }
0x1d: {  	s5 =	simm.s32 @p1 $0x1;
	p0 =	seq.s32 s7, s2  }
0x1e: {  	s7 =	smul.u32 @!p0 $0xF7A, s2;
	p2 =	seq.s32 @!p0 s5, $0x0  }
0x1f: {  	s9 =	smul.u32 $0xF7A, s1;
	s8 =	simm.s32 @!p0 $0x1BF5;
	p2 =	por !p2, p0  }
0x20: {  	[sflag:s8] =	ssyncset.s32 @!p0 $0xFFFFF086;
	s6 =	sadd.s32 @!p0 s3, s7;
	s7 =	simm.s32 @!p0 $0x108  }
0x21: {  	s3 =	sadd.s32 s3, s9;
	s6 =	sadd.s32 @!p0 $0x88, s6;
	s7 =	simm.s32 @p2 $0x1082  }
0x22: {  	[simem:s7], [sflag:s8] =	dma.local @!p0 [hbm:s6], $0xF7A  }
0x23: {  	s9 =	sor.u32 $0xD0000000, s2;
	s6 =	simm.s32 $0x108;
	_ =	swait.ge @!p0 [sflag:s8], $0x0  }
0x24: {  	s3 =	sadd.s32 $0x88, s3;
	s6 =	simm.s32 @!p1 $0x1082;
	[sflag:s4] =	ssyncset.s32 $0xFFFFF086  }
0x25: {  	[simem:s6], [sflag:s4] =	dma.local [hbm:s3], $0xF7A  }
0x26: {  	[smem:$0x3F99] =	sst s1;
	(tag) =	ssettag s2;
	_ =	strace s9  }
0x27: {  	s1 =	sld [smem:$0x3FA9]  }
0x28: {  	s2 =	sld [smem:$0x3FAA]  }
0x29: {  	s4 =	sld [smem:$0x3FAC]  }
0x2a: {  	p0 =	seq.s32 s5, $0x0;
	s5 =	sld [smem:$0x3FAD]  }
0x2b: {  	s6 =	sld [smem:$0x3FAE]  }
0x2c: {  	s7 =	sld [smem:$0x3FAF]  }
0x2d: {  	s3 =	simm.s32 $0x108;
	s8 =	sld [smem:$0x3FB0]  }
0x2e: {  	s3 =	simm.s32 @!p0 $0x1082;
	s9 =	sld [smem:$0x3FB1]  }
0x2f: {  	lr =	sadd.s32 s0, s3;
	s0 =	sld [smem:$0x3FA8]  }
0x30: {  	s3 =	sld [smem:$0x3FAB]  }
0x31: {  	[smem:$0x3FB4] =	sst s10  }
0x32: {  	s10 =	sld [smem:$0x3FB2];
	_ =	sdelay $0x3  }
0x33: {  	p0 =	seq.s32 s10, $0x1;
	s10 =	sld [smem:$0x3FB4];
	_ =	sdelay $0x3  }
0x34: {  	[smem:$0x3FB4] =	sst s10  }
0x35: {  	s10 =	sld [smem:$0x3FB3];
	_ =	sdelay $0x3  }
0x36: {  	p1 =	seq.s32 s10, $0x1;
	s10 =	sld [smem:$0x3FB4];
	_ =	sdelay $0x3  }
0x37: {  	[smem:$0x3FB4] =	sst s10  }
0x38: {  	s10 =	sld [smem:$0x3FB5]  }
0x39: {  	_ = 	snop;
	(pc) =	sbr.ind lr, $3  }
0x3a: {  	_ = 	snop  }
0x3b: {  	_ = 	snop  }
0x3c: {  	p2 =	seq.s32 s10, $0x1;
	s10 =	sld [smem:$0x3FB4]  }
0x3d: {  	_ =	shalt  }
0x3e: {  	_ =	shalt  }
0x3f: {  	_ =	shalt  }
0x40: {  	_ =	shalt  }
0x41: {  	_ =	shalt  }
0x42: {  	_ =	shalt  }
0x43: {  	_ =	shalt  }
0x44: {  	_ =	shalt  }
0x45: {  	_ =	shalt  }
0x46: {  	_ =	shalt  }
0x47: {  	_ =	shalt  }
0x48: {  	_ =	shalt  }
0x49: {  	_ =	shalt  }
0x4a: {  	_ =	shalt  }
0x4b: {  	_ =	shalt  }
0x4c: {  	_ =	shalt  }
0x4d: {  	_ =	shalt  }
0x4e: {  	_ =	shalt  }
0x4f: {  	_ =	shalt  }
0x50: {  	_ =	shalt  }
0x51: {  	_ =	shalt  }
0x52: {  	_ =	shalt  }
0x53: {  	_ =	shalt  }
0x54: {  	_ =	shalt  }
0x55: {  	_ =	shalt  }
0x56: {  	_ =	shalt  }
0x57: {  	_ =	shalt  }
0x58: {  	_ =	shalt  }
0x59: {  	_ =	shalt  }
0x5a: {  	_ =	shalt  }
0x5b: {  	_ =	shalt  }
0x5c: {  	_ =	shalt  }
0x5d: {  	_ =	shalt  }
0x5e: {  	_ =	shalt  }
0x5f: {  	_ =	shalt  }
0x60: {  	_ =	shalt  }
0x61: {  	_ =	shalt  }
0x62: {  	_ =	shalt  }
0x63: {  	_ =	shalt  }
0x64: {  	_ =	shalt  }
0x65: {  	_ =	shalt  }
0x66: {  	_ =	shalt  }
0x67: {  	_ =	shalt  }
0x68: {  	_ =	shalt  }
0x69: {  	_ =	shalt  }
0x6a: {  	_ =	shalt  }
0x6b: {  	_ =	shalt  }
0x6c: {  	_ =	shalt  }
0x6d: {  	_ =	shalt  }
0x6e: {  	_ =	shalt  }
0x6f: {  	_ =	shalt  }
0x70: {  	_ =	shalt  }
0x71: {  	_ =	shalt  }
0x72: {  	_ =	shalt  }
0x73: {  	_ =	shalt  }
0x74: {  	_ =	shalt  }
0x75: {  	_ =	shalt  }
0x76: {  	_ =	shalt  }
0x77: {  	_ =	shalt  }
0x78: {  	_ =	shalt  }
0x79: {  	_ =	shalt  }
0x7a: {  	_ =	shalt  }
0x7b: {  	_ =	shalt  }
0x7c: {  	_ =	shalt  }
0x7d: {  	_ =	shalt  }
0x7e: {  	_ =	shalt  }
0x7f: {  	_ =	shalt  }
0x80: {  	_ =	shalt  }
0x81: {  	_ =	shalt  }
0x82: {  	_ =	shalt  }
0x83: {  	_ =	shalt  }
0x84: {  	_ =	shalt  }
0x85: {  	_ =	shalt  }
0x86: {  	_ =	shalt  }
0x87: {  	_ =	shalt  }
.Lfunc_end0:
.L_simem_size_0:
called_computation_lowered:
.L_overlay_start_0:
0x88: {  	s2 =	sld [smem:$0x3FD9]  }
0x89: {  	s3 =	sld [smem:$0x3FFE];
	_ =	sdelay $0x1  }
0x8a: {  	s1 =	srdreg.scid  }
0x8b: {  	s0 =	sand.u32 $0x1, s1  }
0x8c: {  	s17 =	sshll.u32 s0, $0xA;
	s2 =	sadd.s32 s3, s2  }
0x8d: {  	s2 =	sadd.s32 s2, s17  }
0x8e: {  	[smem:$0x3FC0] =	sst s2  }
0x8f: {  	_ = 	snop  }
0x90: {  	s2 =	sld [smem:$0x3FD0];
	(tm) =	ssettm $0x1  }
0x91: {  	s18 =	sld [smem:$0x3FFB];
	_ =	sdelay $0x3  }
0x92: {  	_ =	strace s18  }
0x93: {  	s3 =	sld [smem:$0x3FFC];
	_ =	sdelay $0x3  }
0x94: {  	_ =	strace s3  }
0x95: {  	s3 =	sld [smem:$0x3FFD];
	_ =	sdelay $0x3  }
0x96: {  	_ =	strace s3  }
0x97: {  	_ =	strace $0x8FFFFFFF  }
0x98: {  	s19 =	sld [smem:$0x3FDB];
	_ =	sdelay $0x1  }
0x99: {  	s4 =	simm.s32 $_scs_section_size  }
0x9a: {  	s5 =	simm.s32 $_size__tile_overlayer_lowered;
	s6 =	simm.s32 $_tile_overlayer_lowered  }
0x9b: {  	s22 =	simm.s32 $0x1BFF;
	s21 =	sshll.u32 s6, $0x1;
	s3 =	sadd.s32 s4, s19  }
0x9c: {  	s7 =	simm.s32 $0x0;
	s20 =	sshll.u32 s5, $0x1;
	s5 =	sadd.s32 s21, s3  }
0x9d: {  	[timem:s7], [sflag:s22] =	dma.local [hbm:s5], s20  }
0x9e: {  	_ =	swait.ge [sflag:s22], s20  }
0x9f: {  	s4 =	ssub.s32 $0x0, s20;
	[sflag:s22] =	ssyncset.done $0x0  }
0xa0: {  	[sflag:s22] =	ssyncadd.s32 s4;
	_ =	sdelay $0x1  }
0xa1: {  	s23 =	simm.s32 $0x1B8B  }
0xa2: {  	_ =	swait.ge [sflag:s23], $0x1  }
0xa3: {  	[sflag:s23] =	ssyncset.done $0x0  }
0xa4: {  	s25 =	simm.s32 $0x1B8E;
	s24 =	sld [smem:$0x3FFE];
	[sflag:s23] =	ssyncadd.s32 $0xFFFFFFFF  }
0xa5: {  	s26 =	simm.s32 $execute0_lowered;
	[smem:$0x3FD2] =	sst s25  }
0xa6: {  	s5 =	sshll.u32 s26, $0x1;
	_ =	strace $0x80000046;
	[dreg:$0x1] =	wrdreg $0xFFFFFFFF  }
0xa7: {  	s28 =	simm.s32 $_size_execute0_lowered;
	s3 =	sadd.s32 s3, s5;
	[dreg:$0x0] =	wrdreg $0x0  }
0xa8: {  	s5 =	sshll.u32 s28, $0x1;
	[dreg:$0x2] =	wrdreg s3  }
0xa9: {  	[dreg:$0x3] =	wrdreg s5  }
0xaa: {  	[dreg:$0x4] =	wrdreg $0xC0  }
0xab: {  	_ =	task [dreg:s7], $0x5FFFF  }
0xac: {  	[dreg:$0x1] =	wrdreg $0xFFFFFFFF  }
0xad: {  	[dreg:$0x0] =	wrdreg $0x60  }
0xae: {  	[dreg:$0x2] =	wrdreg s24  }
0xaf: {  	[dreg:$0x3] =	wrdreg s2  }
0xb0: {  	[dreg:$0x4] =	wrdreg $0xA5000  }
0xb1: {  	[dreg:$0x5] =	wrdreg $0x9  }
0xb2: {  	_ =	task.clear_ibuf [dreg:s7], $0x6FFFF;
	_ =	strace $0x90000046  }
0xb3: {  	s29 =	simm.s32 $0x9;
	_ =	strace $0x80000048  }
0xb4: {  	_ =	swait.ge [sflag:s29], $0x1  }
0xb5: {  	[sflag:s29] =	ssyncadd.s32 $0xFFFFFFFF  }
0xb6: {  	_ =	strace $0x90000048  }
0xb7: {  	_ =	sfence  }
0xb8: {  	s30 =	sld [smem:$0x0];
	_ =	sdelay $0x2  }
0xb9: {  	s31 =	sshll.u32 s1, $0xD;
	s1 =	sshrl.u32 s1, $0x2  }
0xba: {  	s3 =	sand.u32 $0x4000, s31;
	s1 =	sadd.s32 s1, s30  }
0xbb: {  	s0 =	sor.u32 s3, s0;
	s1 =	sshll.u32 s1, $0x11  }
0xbc: {  	s0 =	sor.u32 s1, s0  }
0xbd: {  	s0 =	sadd.s32 $0x8F2B, s0  }
0xbe: {  	[sflag:s0] =	ssyncadd.remote.s32 $0x1  }
0xbf: {  	_ =	sfence.sel $0xFFFF  }
0xc0: {  	[dreg:$0x0] =	wrdreg $0xFFFFFFFF;
	(pc) =	sbr.abs _section_cstart, $3  }
0xc1: {  	[dreg:$0x1] =	wrdreg $0xFFFFFFFF  }
0xc2: {  	_ =	task.clear_ibuf [dreg:s7], $0x2FFFF;
	_ =	strace $0x9FFFFFFF  }
0xc3: {  	(tm) =	ssettm $0x7FFFFFFF  }
tec
execute0_lowered:
.L_overlay_start_1:
0x0: {  	(tag) =	ssettag $0x1  }
0x1: {  	s0 =	srdreg.scid  }
0x2: {  	s5 =	rddreg [dreg:$0x0];
	s26 =	stileid.u32  }
0x3: {  	s6 =	rddreg [dreg:$0x1];
	s14 =	simm.s32 $0x28;
	s15 =	simm.s32 $0x5000  }
0x4: {  	s16 =	simm.s32 $0x6540;
	s17 =	simm.s32 $0x50;
	s18 =	simm.s32 $0x7A80  }
0x5: {  	s19 =	simm.s32 $0x78;
	s20 =	simm.s32 $0x8FC0;
	s21 =	simm.s32 $0x1  }
0x6: {  	s22 =	simm.s32 $0x2;
	s23 =	simm.s32 $0x3;
	s24 =	simm.s32 $0x4  }
0x7: {  	s25 =	simm.s32 $0x4F60;
	s28 =	simm.s32 $0x4FB0;
	s29 =	simm.s32 $0x4FD8  }
0x8: {  	s30 =	simm.s32 $0x0;
	s1 =	sand.u32 $0x1, s0;
	s8 =	smul.u32 $0x15400, s26  }
0x9: {  	s4 =	sadd.s32 $0x1600, s5;
	s31 =	sshll.u32 s26, $0x6;
	s2 =	sshll.u32 s1, $0x4  }
0xa: {  	s9 =	smul.u32 $0x154000, s1;
	s1 =	ssub.s32 $0x2, s1;
	s3 =	sor.u32 s26, s2  }
0xb: {  	s2 =	rddreg [dreg:$0x2];
	s11 =	sshrl.u32 s8, $0x3;
	s12 =	sshrl.u32 s1, $0x1  }
0xc: {  	s26 =	simm.s32 $0x4F88;
	s7 =	smul.u32 $0x500, s3;
	s3 =	simm.s32 $0x0  }
0xd: {  	s9 =	sadd.s32 s8, s9;
	s11 =	sadd.s32 s11, s5;
	s1 =	ssub.s32 s1, s12  }
0xe: {  	s13 =	sadd.s32 s8, s2;
	s12 =	sor.u32 $0x1C05, s31;
	[smem:$0x7FF] =	sst s3  }
0xf: {  	s9 =	sshrl.u32 s9, $0x3;
	s13 =	sshrl.u32 s13, $0x3;
	_ =	strace $0x80000047  }
0x10: {  	s10 =	sadd.s32 s7, s5;
	s9 =	sadd.s32 s9, s5;
	s6 =	sadd.s32 s6, s7  }
0x11: {  	s7 =	sadd.s32 $0x35E00, s11;
	s11 =	simm.s32 $0x2800;
	s5 =	sadd.s32 $0x2BE00, s10  }
0x12: {  	s8 =	sadd.s32 $0x60600, s9;
	s9 =	smax.u32 s1, $0x1;
	s10 =	simm.s32 $0x5  }
.LBB2_1:
0x13: {  	[tilespmem:s3], [sflag:$0x5] =	stream.linear.gather [hbm4b:s5+s3], $0x2800, $0x38;
	[tilespmem:$0x1F900] =	vst v63  }
0x14: {  	_ =	swait.ge [sflag:s10], $0x2800  }
0x15: {  	[sflag:s10] =	ssyncset.done $0x0  }
0x16: {  	[sflag:s10] =	ssyncadd.s32 $0xFFFFD800  }
0x17: {  	[tilespmem:s11], [sflag:$0x5] =	stream.linear.gather [hbm4b:s6+s3], $0x2800, $0x38;
	[tilespmem:$0x1F900] =	vst v63  }
0x18: {  	_ =	swait.ge [sflag:s10], $0x2800  }
0x19: {  	[sflag:s10] =	ssyncset.done $0x0  }
0x1a: {  	[sflag:s10] =	ssyncadd.s32 $0xFFFFD800  }
0x1b: {  	[spmem:s13], [sflag:s12] =	dma.local [hbm:s7], $0x2A80  }
0x1c: {  	_ =	swait.ge [sflag:s10], $0x2A80  }
0x1d: {  	[sflag:s10] =	ssyncset.done $0x0  }
0x1e: {  	[sflag:s10] =	ssyncadd.s32 $0xFFFFD580  }
0x1f: {  	[bflag:$0x0] =	sbarrier.arrive $0xFFFF  }
0x20: {  	[tilespmem:s15], [sflag:$0x1] =	stream.indirect.gather [hbm4b:s4+s14], $0x88, s3, s14, $0xb8;
	[tilespmem:$0x1F900] =	vst v63  }
0x21: {  	_ = 	snop  }
0x22: {  	[tilespmem:s16], [sflag:$0x2] =	stream.indirect.gather [hbm4b:s4+s14], $0x88, s14, s14, $0xb8;
	[tilespmem:$0x1F900] =	vst v63  }
0x23: {  	_ = 	snop  }
0x24: {  	[tilespmem:s18], [sflag:$0x3] =	stream.indirect.gather [hbm4b:s4+s14], $0x88, s17, s14, $0xb8;
	[tilespmem:$0x1F900] =	vst v63  }
0x25: {  	_ = 	snop  }
0x26: {  	[tilespmem:s20], [sflag:$0x4] =	stream.indirect.gather [hbm4b:s4+s14], $0x88, s19, s14, $0xb8;
	[tilespmem:$0x1F900] =	vst v63  }
0x27: {  	_ =	swait.ge [sflag:s21], $0x1540  }
0x28: {  	[sflag:s21] =	ssyncset.done $0x0  }
0x29: {  	s1 =	simm.s32 $0x2800;
	[sflag:s21] =	ssyncadd.s32 $0xFFFFEAC0  }
0x2a: {  	[spmem:s2] =	stream.indirect.scatter.add.f32 [tilespmem:s15], [sflag:$0x5], $0x88, s1, s14, $0xb8;
	[tilespmem:$0x1F900] =	vst v63  }
0x2b: {  	_ =	swait.ge [sflag:s10], $0x1540  }
0x2c: {  	[sflag:s10] =	ssyncset.done $0x0  }
0x2d: {  	s0 =	simm.s32 $0xA0;
	[sflag:s10] =	ssyncadd.s32 $0xFFFFEAC0  }
0x2e: {  	[tilespmem:s15], [sflag:$0x1] =	stream.indirect.gather [hbm4b:s4+s14], $0x88, s0, s14, $0xb8;
	[tilespmem:$0x1F900] =	vst v63  }
0x2f: {  	_ =	swait.ge [sflag:s22], $0x1540  }
0x30: {  	[sflag:s22] =	ssyncset.done $0x0  }
0x31: {  	s0 =	simm.s32 $0x2828;
	[sflag:s22] =	ssyncadd.s32 $0xFFFFEAC0  }
0x32: {  	[spmem:s2] =	stream.indirect.scatter.add.f32 [tilespmem:s16], [sflag:$0x5], $0x88, s0, s14, $0xb8;
	[tilespmem:$0x1F900] =	vst v63  }
0x33: {  	_ =	swait.ge [sflag:s10], $0x1540  }
0x34: {  	[sflag:s10] =	ssyncset.done $0x0  }
0x35: {  	s0 =	simm.s32 $0xC8;
	[sflag:s10] =	ssyncadd.s32 $0xFFFFEAC0  }
0x36: {  	[tilespmem:s16], [sflag:$0x2] =	stream.indirect.gather [hbm4b:s4+s14], $0x88, s0, s14, $0xb8;
	[tilespmem:$0x1F900] =	vst v63  }
0x37: {  	_ =	swait.ge [sflag:s23], $0x1540  }
0x38: {  	[sflag:s23] =	ssyncset.done $0x0  }
0x39: {  	s0 =	simm.s32 $0x2850;
	[sflag:s23] =	ssyncadd.s32 $0xFFFFEAC0  }
0x3a: {  	[spmem:s2] =	stream.indirect.scatter.add.f32 [tilespmem:s18], [sflag:$0x5], $0x88, s0, s14, $0xb8;
	[tilespmem:$0x1F900] =	vst v63  }
0x3b: {  	_ =	swait.ge [sflag:s10], $0x1540  }
0x3c: {  	[sflag:s10] =	ssyncset.done $0x0  }
0x3d: {  	s0 =	simm.s32 $0xF0;
	[sflag:s10] =	ssyncadd.s32 $0xFFFFEAC0  }
0x3e: {  	[tilespmem:s18], [sflag:$0x3] =	stream.indirect.gather [hbm4b:s4+s14], $0x88, s0, s14, $0xb8;
	[tilespmem:$0x1F900] =	vst v63  }
0x3f: {  	_ =	swait.ge [sflag:s24], $0x1540  }
0x40: {  	[sflag:s24] =	ssyncset.done $0x0  }
0x41: {  	s0 =	simm.s32 $0x2878;
	[sflag:s24] =	ssyncadd.s32 $0xFFFFEAC0  }
0x42: {  	[spmem:s2] =	stream.indirect.scatter.add.f32 [tilespmem:s20], [sflag:$0x5], $0x88, s0, s14, $0xb8;
	[tilespmem:$0x1F900] =	vst v63  }
0x43: {  	_ =	swait.ge [sflag:s10], $0x1540  }
0x44: {  	[sflag:s10] =	ssyncset.done $0x0  }
0x45: {  	s31 =	simm.s32 $0x280;
	s1 =	simm.s32 $0x118;
	[sflag:s10] =	ssyncadd.s32 $0xFFFFEAC0  }
.LBB2_2:
0x46: {  	[tilespmem:s20], [sflag:$0x4] =	stream.indirect.gather [hbm4b:s4+s14], $0x88, s1, s14, $0xb8;
	[tilespmem:$0x1F900] =	vst v63  }
0x47: {  	s1 =	smov.u32 s31  }
0x48: {  	p0 =	sne.s32 s31, $0x9B00;
	s31 =	sadd.s32 $0x280, s31;
	_ =	swait.ge [sflag:s21], $0x1540  }
0x49: {  	s1 =	sshra.s32 s1, $0x2;
	[sflag:s21] =	ssyncset.done $0x0  }
0x4a: {  	s0 =	sadd.s32 $0x2800, s1;
	[sflag:s21] =	ssyncadd.s32 $0xFFFFEAC0  }
0x4b: {  	[spmem:s2] =	stream.indirect.scatter.add.f32 [tilespmem:s15], [sflag:$0x5], $0x88, s0, s14, $0xb8;
	[tilespmem:$0x1F900] =	vst v63  }
0x4c: {  	_ =	swait.ge [sflag:s10], $0x1540  }
0x4d: {  	[sflag:s10] =	ssyncset.done $0x0  }
0x4e: {  	s0 =	sadd.s32 $0xA0, s1;
	[sflag:s10] =	ssyncadd.s32 $0xFFFFEAC0  }
0x4f: {  	[tilespmem:s15], [sflag:$0x1] =	stream.indirect.gather [hbm4b:s4+s14], $0x88, s0, s14, $0xb8;
	[tilespmem:$0x1F900] =	vst v63  }
0x50: {  	_ =	swait.ge [sflag:s22], $0x1540  }
0x51: {  	[sflag:s22] =	ssyncset.done $0x0  }
0x52: {  	s0 =	sadd.s32 $0x2828, s1;
	[sflag:s22] =	ssyncadd.s32 $0xFFFFEAC0  }
0x53: {  	[spmem:s2] =	stream.indirect.scatter.add.f32 [tilespmem:s16], [sflag:$0x5], $0x88, s0, s14, $0xb8;
	[tilespmem:$0x1F900] =	vst v63  }
0x54: {  	_ =	swait.ge [sflag:s10], $0x1540  }
0x55: {  	[sflag:s10] =	ssyncset.done $0x0  }
0x56: {  	s0 =	sadd.s32 $0xC8, s1;
	[sflag:s10] =	ssyncadd.s32 $0xFFFFEAC0  }
0x57: {  	[tilespmem:s16], [sflag:$0x2] =	stream.indirect.gather [hbm4b:s4+s14], $0x88, s0, s14, $0xb8;
	[tilespmem:$0x1F900] =	vst v63  }
0x58: {  	_ =	swait.ge [sflag:s23], $0x1540  }
0x59: {  	[sflag:s23] =	ssyncset.done $0x0  }
0x5a: {  	s0 =	sadd.s32 $0x2850, s1;
	[sflag:s23] =	ssyncadd.s32 $0xFFFFEAC0  }
0x5b: {  	[spmem:s2] =	stream.indirect.scatter.add.f32 [tilespmem:s18], [sflag:$0x5], $0x88, s0, s14, $0xb8;
	[tilespmem:$0x1F900] =	vst v63  }
0x5c: {  	_ =	swait.ge [sflag:s10], $0x1540  }
0x5d: {  	[sflag:s10] =	ssyncset.done $0x0  }
0x5e: {  	s0 =	sadd.s32 $0xF0, s1;
	[sflag:s10] =	ssyncadd.s32 $0xFFFFEAC0  }
0x5f: {  	[tilespmem:s18], [sflag:$0x3] =	stream.indirect.gather [hbm4b:s4+s14], $0x88, s0, s14, $0xb8;
	[tilespmem:$0x1F900] =	vst v63  }
0x60: {  	_ =	swait.ge [sflag:s24], $0x1540  }
0x61: {  	[sflag:s24] =	ssyncset.done $0x0  }
.Ltmp0:
0x62: {  	s0 =	sadd.s32 $0x2878, s1;
	[sflag:s24] =	ssyncadd.s32 $0xFFFFEAC0;
	(pc) =	sbr.rel @p0 .LBB2_2-.Ltmp0, $4  }
0x63: {  	[spmem:s2] =	stream.indirect.scatter.add.f32 [tilespmem:s20], [sflag:$0x5], $0x88, s0, s14, $0xb8;
	[tilespmem:$0x1F900] =	vst v63  }
0x64: {  	_ =	swait.ge [sflag:s10], $0x1540  }
0x65: {  	[sflag:s10] =	ssyncset.done $0x0  }
0x66: {  	s1 =	sadd.s32 $0x118, s1;
	[sflag:s10] =	ssyncadd.s32 $0xFFFFEAC0  }
0x67: {  	[tilespmem:s20], [sflag:$0x4] =	stream.indirect.gather [hbm4b:s4+s14], $0x88, s1, s14, $0xb8;
	[tilespmem:$0x1F900] =	vst v63  }
0x68: {  	_ =	swait.ge [sflag:s21], $0x1540  }
0x69: {  	[sflag:s21] =	ssyncset.done $0x0  }
0x6a: {  	[sflag:s21] =	ssyncadd.s32 $0xFFFFEAC0  }
0x6b: {  	[spmem:s2] =	stream.indirect.scatter.add.f32 [tilespmem:s15], [sflag:$0x5], $0x88, s25, s14, $0xb8;
	[tilespmem:$0x1F900] =	vst v63  }
0x6c: {  	_ =	swait.ge [sflag:s10], $0x1540  }
0x6d: {  	[sflag:s10] =	ssyncset.done $0x0  }
0x6e: {  	[sflag:s10] =	ssyncadd.s32 $0xFFFFEAC0  }
0x6f: {  	_ =	swait.ge [sflag:s22], $0x1540  }
0x70: {  	[sflag:s22] =	ssyncset.done $0x0  }
0x71: {  	[sflag:s22] =	ssyncadd.s32 $0xFFFFEAC0  }
0x72: {  	[spmem:s2] =	stream.indirect.scatter.add.f32 [tilespmem:s16], [sflag:$0x5], $0x88, s26, s14, $0xb8;
	[tilespmem:$0x1F900] =	vst v63  }
0x73: {  	_ =	swait.ge [sflag:s10], $0x1540  }
0x74: {  	[sflag:s10] =	ssyncset.done $0x0  }
0x75: {  	[sflag:s10] =	ssyncadd.s32 $0xFFFFEAC0  }
0x76: {  	_ =	swait.ge [sflag:s23], $0x1540  }
0x77: {  	[sflag:s23] =	ssyncset.done $0x0  }
0x78: {  	[sflag:s23] =	ssyncadd.s32 $0xFFFFEAC0  }
0x79: {  	[spmem:s2] =	stream.indirect.scatter.add.f32 [tilespmem:s18], [sflag:$0x5], $0x88, s28, s14, $0xb8;
	[tilespmem:$0x1F900] =	vst v63  }
0x7a: {  	_ =	swait.ge [sflag:s10], $0x1540  }
0x7b: {  	[sflag:s10] =	ssyncset.done $0x0  }
0x7c: {  	[sflag:s10] =	ssyncadd.s32 $0xFFFFEAC0  }
0x7d: {  	_ =	swait.ge [sflag:s24], $0x1540  }
0x7e: {  	[sflag:s24] =	ssyncset.done $0x0  }
0x7f: {  	[sflag:s24] =	ssyncadd.s32 $0xFFFFEAC0  }
0x80: {  	[spmem:s2] =	stream.indirect.scatter.add.f32 [tilespmem:s20], [sflag:$0x5], $0x88, s29, s14, $0xb8;
	[tilespmem:$0x1F900] =	vst v63  }
0x81: {  	_ =	swait.ge [sflag:s10], $0x1540  }
0x82: {  	s30 =	sadd.s32 $0x1, s30;
	[sflag:s10] =	ssyncset.done $0x0  }
0x83: {  	p0 =	sne.s32 s30, s9;
	[sflag:s10] =	ssyncadd.s32 $0xFFFFEAC0  }
.Ltmp1:
0x84: {  	[bflag:$0x0] =	sbarrier.arrive $0xFFFF;
	(pc) =	sbr.rel @p0 .LBB2_1-.Ltmp1, $4  }
0x85: {  	[hbm:s8], [sflag:s12] =	dma.local [spmem:s13], $0x2A80  }
0x86: {  	_ =	swait.ge [sflag:s10], $0x2A80  }
0x87: {  	[sflag:s10] =	ssyncset.done $0x0  }
0x88: {  	[sflag:s10] =	ssyncadd.s32 $0xFFFFD580  }
0x89: {  	_ =	sfence.sel $0x180000  }
0x8a: {  	[bflag:$0x0] =	sbarrier.arrive $0xFFFF  }
0x8b: {  	_ =	strace $0x90000047  }
0x8c: {  	s0 =	stileid.u32;
	[bflag:$0x2] =	sbarrier.arrive $0xFFFF  }
0x8d: {  	p0 =	sne.s32 s0, $0x0;
	s0 =	rddreg [dreg:$0x3]  }
0x8e: {  	s0 =	sadd.s32 @!p0 $0x100000, s0  }
0x8f: {  	[sflag:s0] =	ssyncadd.tile.s32 @!p0 $0x1;
	_ =	shalt  }
.Lfunc_end2:
_tile_overlayer_lowered:
.L_overlay_start_2:
0x90: {  	(tag) =	ssettag $0x2  }
0x91: {  	s0 =	rddreg [dreg:$0x0];
	s2 =	stileid.u32  }
0x92: {  	s1 =	rddreg [dreg:$0x1];
	p0 =	sne.s32 s2, $0x0  }
0x93: {  	s3 =	rddreg [dreg:$0x2];
	[bflag:$0x3] =	sbarrier.arrive $0xFFFF;
	s2 =	simm.s32 @!p0 $0x1C05  }
0x94: {  	[timem:s3], [sflag:s2] =	dma.local @!p0 [hbm:s0], s1  }
0x95: {  	s0 =	simm.s32 @!p0 $0x5  }
0x96: {  	_ =	swait.ge @!p0 [sflag:s0], s1  }
0x97: {  	s1 =	ssub.s32 @!p0 $0x0, s1;
	[sflag:s0] =	ssyncset.done @!p0 $0x0  }
0x98: {  	[sflag:s0] =	ssyncadd.s32 @!p0 s1  }
0x99: {  	[bflag:$0x3] =	sbarrier.arrive $0xFFFF  }
0x9a: {  	_ =	shalt  }

// kernel: kernel.9.cloned.1.call-start
scs
__scs_entry_jumppad:
0x0: {  	(pc) =	sbr.rel $0x88, $3  }
0x1: {  	(tag) =	ssettag $0x0;
	lr =	simm.s32 $0x1  }
0x2: {  	[smem:$0x3F99] =	sst lr;
	_ =	strace $0xD0000000  }
0x3: {  	_ = 	snop  }
0x4: {  	_ = 	snop  }
0x5: {  	_ = 	snop  }
0x6: {  	_ = 	snop  }
0x7: {  	_ = 	snop  }
__scs_overlays_trampoline_lowered:
0x8: {  	[smem:$0x3FA8] =	sst s0  }
0x9: {  	[smem:$0x3FA9] =	sst s1  }
0xa: {  	[smem:$0x3FAA] =	sst s2  }
0xb: {  	[smem:$0x3FAB] =	sst s3  }
0xc: {  	[smem:$0x3FAC] =	sst s4  }
0xd: {  	[smem:$0x3FAD] =	sst s5  }
0xe: {  	[smem:$0x3FAE] =	sst s6  }
0xf: {  	[smem:$0x3FAF] =	sst s7  }
0x10: {  	[smem:$0x3FB0] =	sst s8  }
0x11: {  	[smem:$0x3FB1] =	sst s9;
	s0 =	simm.s32 @!p0 $0x0  }
0x12: {  	s1 =	sld [smem:$0x3F97];
	s0 =	simm.s32 @p0 $0x1  }
0x13: {  	[smem:$0x3FB2] =	sst s0;
	s0 =	simm.s32 @!p1 $0x0  }
0x14: {  	s2 =	sld [smem:$0x3F96];
	s0 =	simm.s32 @p1 $0x1  }
0x15: {  	[smem:$0x3FB3] =	sst s0;
	s0 =	simm.s32 @!p2 $0x0  }
0x16: {  	s3 =	sld [smem:$0x3FDB];
	s0 =	simm.s32 @p2 $0x1  }
0x17: {  	s4 =	simm.s32 $0x1BF5;
	[smem:$0x3FB5] =	sst s0  }
0x18: {  	s0 =	sld [smem:$0x3F98];
	_ =	swait.ge [sflag:s4], $0x0  }
0x19: {  	s7 =	sld [smem:$0x3F99]  }
0x1a: {  	s8 =	sadd.s32 $0xFFFFE003, lr  }
0x1b: {  	s9 =	sadd.s32 $0xFFFFFEF7, lr;
	s5 =	simm.s32 $0xFFFFFFFF;
	p2 =	slt.u32 s8, $0xFFFFF086  }
0x1c: {  	p1 =	slt.u32 s9, $0xF7A;
	s5 =	simm.s32 @!p2 $0x0  }
0x1d: {  	s5 =	simm.s32 @p1 $0x1;
	p0 =	seq.s32 s7, s2  }
0x1e: {  	s7 =	smul.u32 @!p0 $0xF7A, s2;
	p2 =	seq.s32 @!p0 s5, $0x0  }
0x1f: {  	s9 =	smul.u32 $0xF7A, s1;
	s8 =	simm.s32 @!p0 $0x1BF5;
	p2 =	por !p2, p0  }
0x20: {  	[sflag:s8] =	ssyncset.s32 @!p0 $0xFFFFF086;
	s6 =	sadd.s32 @!p0 s3, s7;
	s7 =	simm.s32 @!p0 $0x108  }
0x21: {  	s3 =	sadd.s32 s3, s9;
	s6 =	sadd.s32 @!p0 $0x88, s6;
	s7 =	simm.s32 @p2 $0x1082  }
0x22: {  	[simem:s7], [sflag:s8] =	dma.local @!p0 [hbm:s6], $0xF7A  }
0x23: {  	s9 =	sor.u32 $0xD0000000, s2;
	s6 =	simm.s32 $0x108;
	_ =	swait.ge @!p0 [sflag:s8], $0x0  }
0x24: {  	s3 =	sadd.s32 $0x88, s3;
	s6 =	simm.s32 @!p1 $0x1082;
	[sflag:s4] =	ssyncset.s32 $0xFFFFF086  }
0x25: {  	[simem:s6], [sflag:s4] =	dma.local [hbm:s3], $0xF7A  }
0x26: {  	[smem:$0x3F99] =	sst s1;
	(tag) =	ssettag s2;
	_ =	strace s9  }
0x27: {  	s1 =	sld [smem:$0x3FA9]  }
0x28: {  	s2 =	sld [smem:$0x3FAA]  }
0x29: {  	s4 =	sld [smem:$0x3FAC]  }
0x2a: {  	p0 =	seq.s32 s5, $0x0;
	s5 =	sld [smem:$0x3FAD]  }
0x2b: {  	s6 =	sld [smem:$0x3FAE]  }
0x2c: {  	s7 =	sld [smem:$0x3FAF]  }
0x2d: {  	s3 =	simm.s32 $0x108;
	s8 =	sld [smem:$0x3FB0]  }
0x2e: {  	s3 =	simm.s32 @!p0 $0x1082;
	s9 =	sld [smem:$0x3FB1]  }
0x2f: {  	lr =	sadd.s32 s0, s3;
	s0 =	sld [smem:$0x3FA8]  }
0x30: {  	s3 =	sld [smem:$0x3FAB]  }
0x31: {  	[smem:$0x3FB4] =	sst s10  }
0x32: {  	s10 =	sld [smem:$0x3FB2];
	_ =	sdelay $0x3  }
0x33: {  	p0 =	seq.s32 s10, $0x1;
	s10 =	sld [smem:$0x3FB4];
	_ =	sdelay $0x3  }
0x34: {  	[smem:$0x3FB4] =	sst s10  }
0x35: {  	s10 =	sld [smem:$0x3FB3];
	_ =	sdelay $0x3  }
0x36: {  	p1 =	seq.s32 s10, $0x1;
	s10 =	sld [smem:$0x3FB4];
	_ =	sdelay $0x3  }
0x37: {  	[smem:$0x3FB4] =	sst s10  }
0x38: {  	s10 =	sld [smem:$0x3FB5]  }
0x39: {  	_ = 	snop;
	(pc) =	sbr.ind lr, $3  }
0x3a: {  	_ = 	snop  }
0x3b: {  	_ = 	snop  }
0x3c: {  	p2 =	seq.s32 s10, $0x1;
	s10 =	sld [smem:$0x3FB4]  }
0x3d: {  	_ =	shalt  }
0x3e: {  	_ =	shalt  }
0x3f: {  	_ =	shalt  }
0x40: {  	_ =	shalt  }
0x41: {  	_ =	shalt  }
0x42: {  	_ =	shalt  }
0x43: {  	_ =	shalt  }
0x44: {  	_ =	shalt  }
0x45: {  	_ =	shalt  }
0x46: {  	_ =	shalt  }
0x47: {  	_ =	shalt  }
0x48: {  	_ =	shalt  }
0x49: {  	_ =	shalt  }
0x4a: {  	_ =	shalt  }
0x4b: {  	_ =	shalt  }
0x4c: {  	_ =	shalt  }
0x4d: {  	_ =	shalt  }
0x4e: {  	_ =	shalt  }
0x4f: {  	_ =	shalt  }
0x50: {  	_ =	shalt  }
0x51: {  	_ =	shalt  }
0x52: {  	_ =	shalt  }
0x53: {  	_ =	shalt  }
0x54: {  	_ =	shalt  }
0x55: {  	_ =	shalt  }
0x56: {  	_ =	shalt  }
0x57: {  	_ =	shalt  }
0x58: {  	_ =	shalt  }
0x59: {  	_ =	shalt  }
0x5a: {  	_ =	shalt  }
0x5b: {  	_ =	shalt  }
0x5c: {  	_ =	shalt  }
0x5d: {  	_ =	shalt  }
0x5e: {  	_ =	shalt  }
0x5f: {  	_ =	shalt  }
0x60: {  	_ =	shalt  }
0x61: {  	_ =	shalt  }
0x62: {  	_ =	shalt  }
0x63: {  	_ =	shalt  }
0x64: {  	_ =	shalt  }
0x65: {  	_ =	shalt  }
0x66: {  	_ =	shalt  }
0x67: {  	_ =	shalt  }
0x68: {  	_ =	shalt  }
0x69: {  	_ =	shalt  }
0x6a: {  	_ =	shalt  }
0x6b: {  	_ =	shalt  }
0x6c: {  	_ =	shalt  }
0x6d: {  	_ =	shalt  }
0x6e: {  	_ =	shalt  }
0x6f: {  	_ =	shalt  }
0x70: {  	_ =	shalt  }
0x71: {  	_ =	shalt  }
0x72: {  	_ =	shalt  }
0x73: {  	_ =	shalt  }
0x74: {  	_ =	shalt  }
0x75: {  	_ =	shalt  }
0x76: {  	_ =	shalt  }
0x77: {  	_ =	shalt  }
0x78: {  	_ =	shalt  }
0x79: {  	_ =	shalt  }
0x7a: {  	_ =	shalt  }
0x7b: {  	_ =	shalt  }
0x7c: {  	_ =	shalt  }
0x7d: {  	_ =	shalt  }
0x7e: {  	_ =	shalt  }
0x7f: {  	_ =	shalt  }
0x80: {  	_ =	shalt  }
0x81: {  	_ =	shalt  }
0x82: {  	_ =	shalt  }
0x83: {  	_ =	shalt  }
0x84: {  	_ =	shalt  }
0x85: {  	_ =	shalt  }
0x86: {  	_ =	shalt  }
0x87: {  	_ =	shalt  }
.Lfunc_end0:
.L_simem_size_0:
called_computation.1_lowered:
.L_overlay_start_0:
0x88: {  	s2 =	sld [smem:$0x3FD9]  }
0x89: {  	s3 =	sld [smem:$0x3FFE];
	_ =	sdelay $0x1  }
0x8a: {  	s1 =	srdreg.scid  }
0x8b: {  	s0 =	sand.u32 $0x1, s1  }
0x8c: {  	s17 =	sshll.u32 s0, $0xA;
	s2 =	sadd.s32 s3, s2  }
0x8d: {  	s2 =	sadd.s32 s2, s17  }
0x8e: {  	[smem:$0x3FC0] =	sst s2  }
0x8f: {  	_ = 	snop  }
0x90: {  	s2 =	sld [smem:$0x3FD0];
	(tm) =	ssettm $0x1  }
0x91: {  	s18 =	sld [smem:$0x3FFB];
	_ =	sdelay $0x3  }
0x92: {  	_ =	strace s18  }
0x93: {  	s3 =	sld [smem:$0x3FFC];
	_ =	sdelay $0x3  }
0x94: {  	_ =	strace s3  }
0x95: {  	s3 =	sld [smem:$0x3FFD];
	_ =	sdelay $0x3  }
0x96: {  	_ =	strace s3  }
0x97: {  	_ =	strace $0x8FFFFFFF  }
0x98: {  	s19 =	sld [smem:$0x3FDB];
	_ =	sdelay $0x1  }
0x99: {  	s4 =	simm.s32 $_scs_section_size  }
0x9a: {  	s5 =	simm.s32 $_size__tile_overlayer_lowered;
	s6 =	simm.s32 $_tile_overlayer_lowered  }
0x9b: {  	s22 =	simm.s32 $0x1BFF;
	s21 =	sshll.u32 s6, $0x1;
	s3 =	sadd.s32 s4, s19  }
0x9c: {  	s7 =	simm.s32 $0x0;
	s20 =	sshll.u32 s5, $0x1;
	s5 =	sadd.s32 s21, s3  }
0x9d: {  	[timem:s7], [sflag:s22] =	dma.local [hbm:s5], s20  }
0x9e: {  	_ =	swait.ge [sflag:s22], s20  }
0x9f: {  	s4 =	ssub.s32 $0x0, s20;
	[sflag:s22] =	ssyncset.done $0x0  }
0xa0: {  	[sflag:s22] =	ssyncadd.s32 s4;
	_ =	sdelay $0x1  }
0xa1: {  	s23 =	simm.s32 $0x1B8B  }
0xa2: {  	_ =	swait.ge [sflag:s23], $0x1  }
0xa3: {  	[sflag:s23] =	ssyncset.done $0x0  }
0xa4: {  	s25 =	simm.s32 $0x1B8E;
	s24 =	sld [smem:$0x3FFE];
	[sflag:s23] =	ssyncadd.s32 $0xFFFFFFFF  }
0xa5: {  	s26 =	simm.s32 $execute0_lowered;
	[smem:$0x3FD2] =	sst s25  }
0xa6: {  	s5 =	sshll.u32 s26, $0x1;
	_ =	strace $0x80000049;
	[dreg:$0x1] =	wrdreg $0xFFFFFFFF  }
0xa7: {  	s28 =	simm.s32 $_size_execute0_lowered;
	s3 =	sadd.s32 s3, s5;
	[dreg:$0x0] =	wrdreg $0x0  }
0xa8: {  	s5 =	sshll.u32 s28, $0x1;
	[dreg:$0x2] =	wrdreg s3  }
0xa9: {  	[dreg:$0x3] =	wrdreg s5  }
0xaa: {  	[dreg:$0x4] =	wrdreg $0xC0  }
0xab: {  	_ =	task [dreg:s7], $0x5FFFF  }
0xac: {  	[dreg:$0x1] =	wrdreg $0xFFFFFFFF  }
0xad: {  	[dreg:$0x0] =	wrdreg $0x60  }
0xae: {  	[dreg:$0x2] =	wrdreg s24  }
0xaf: {  	[dreg:$0x3] =	wrdreg s2  }
0xb0: {  	[dreg:$0x4] =	wrdreg $0xA0000  }
0xb1: {  	[dreg:$0x5] =	wrdreg $0x9  }
0xb2: {  	_ =	task.clear_ibuf [dreg:s7], $0x6FFFF;
	_ =	strace $0x90000049  }
0xb3: {  	s29 =	simm.s32 $0x9;
	_ =	strace $0x8000004B  }
0xb4: {  	_ =	swait.ge [sflag:s29], $0x1  }
0xb5: {  	[sflag:s29] =	ssyncadd.s32 $0xFFFFFFFF  }
0xb6: {  	_ =	strace $0x9000004B  }
0xb7: {  	_ =	sfence  }
0xb8: {  	s30 =	sld [smem:$0x0];
	_ =	sdelay $0x2  }
0xb9: {  	s31 =	sshll.u32 s1, $0xD;
	s1 =	sshrl.u32 s1, $0x2  }
0xba: {  	s3 =	sand.u32 $0x4000, s31;
	s1 =	sadd.s32 s1, s30  }
0xbb: {  	s0 =	sor.u32 s3, s0;
	s1 =	sshll.u32 s1, $0x11  }
0xbc: {  	s0 =	sor.u32 s1, s0  }
0xbd: {  	s0 =	sadd.s32 $0x8F2B, s0  }
0xbe: {  	[sflag:s0] =	ssyncadd.remote.s32 $0x1  }
0xbf: {  	_ =	sfence.sel $0xFFFF  }
0xc0: {  	[dreg:$0x0] =	wrdreg $0xFFFFFFFF;
	(pc) =	sbr.abs _section_cstart, $3  }
0xc1: {  	[dreg:$0x1] =	wrdreg $0xFFFFFFFF  }
0xc2: {  	_ =	task.clear_ibuf [dreg:s7], $0x2FFFF;
	_ =	strace $0x9FFFFFFF  }
0xc3: {  	(tm) =	ssettm $0x7FFFFFFF  }
tec
execute0_lowered:
.L_overlay_start_1:
0x0: {  	(tag) =	ssettag $0x1  }
0x1: {  	s0 =	srdreg.scid  }
0x2: {  	s5 =	rddreg [dreg:$0x0];
	s26 =	stileid.u32  }
0x3: {  	s6 =	rddreg [dreg:$0x1];
	s14 =	simm.s32 $0x28;
	s15 =	simm.s32 $0x5000  }
0x4: {  	s16 =	simm.s32 $0x6400;
	s17 =	simm.s32 $0x50;
	s18 =	simm.s32 $0x7800  }
0x5: {  	s19 =	simm.s32 $0x78;
	s20 =	simm.s32 $0x8C00;
	s21 =	simm.s32 $0x1  }
0x6: {  	s22 =	simm.s32 $0x2;
	s23 =	simm.s32 $0x3;
	s24 =	simm.s32 $0x4  }
0x7: {  	s25 =	simm.s32 $0x4F60;
	s28 =	simm.s32 $0x4FB0;
	s29 =	simm.s32 $0x4FD8  }
0x8: {  	s30 =	simm.s32 $0x0;
	s1 =	sand.u32 $0x1, s0;
	s8 =	smul.u32 $0x14000, s26  }
0x9: {  	s4 =	sadd.s32 $0x1600, s5;
	s31 =	sshll.u32 s26, $0x6;
	s2 =	sshll.u32 s1, $0x4  }
0xa: {  	s9 =	smul.u32 $0x140000, s1;
	s1 =	ssub.s32 $0x2, s1;
	s3 =	sor.u32 s26, s2  }
0xb: {  	s2 =	rddreg [dreg:$0x2];
	s11 =	sshrl.u32 s8, $0x3;
	s12 =	sshrl.u32 s1, $0x1  }
0xc: {  	s26 =	simm.s32 $0x4F88;
	s7 =	smul.u32 $0x500, s3;
	s3 =	simm.s32 $0x0  }
0xd: {  	s9 =	sadd.s32 s8, s9;
	s11 =	sadd.s32 s11, s5;
	s1 =	ssub.s32 s1, s12  }
0xe: {  	s13 =	sadd.s32 s8, s2;
	s12 =	sor.u32 $0x1C05, s31;
	[smem:$0x7FF] =	sst s3  }
0xf: {  	s9 =	sshrl.u32 s9, $0x3;
	s13 =	sshrl.u32 s13, $0x3;
	_ =	strace $0x8000004A  }
0x10: {  	s10 =	sadd.s32 s7, s5;
	s9 =	sadd.s32 s9, s5;
	s6 =	sadd.s32 s6, s7  }
0x11: {  	s7 =	sadd.s32 $0x35E00, s11;
	s11 =	simm.s32 $0x2800;
	s5 =	sadd.s32 $0x2BE00, s10  }
0x12: {  	s8 =	sadd.s32 $0x5DE00, s9;
	s9 =	smax.u32 s1, $0x1;
	s10 =	simm.s32 $0x5  }
.LBB2_1:
0x13: {  	[tilespmem:s3], [sflag:$0x5] =	stream.linear.gather [hbm4b:s5+s3], $0x2800, $0x38;
	[tilespmem:$0x1E000] =	vst v63  }
0x14: {  	_ =	swait.ge [sflag:s10], $0x2800  }
0x15: {  	[sflag:s10] =	ssyncset.done $0x0  }
0x16: {  	[sflag:s10] =	ssyncadd.s32 $0xFFFFD800  }
0x17: {  	[tilespmem:s11], [sflag:$0x5] =	stream.linear.gather [hbm4b:s6+s3], $0x2800, $0x38;
	[tilespmem:$0x1E000] =	vst v63  }
0x18: {  	_ =	swait.ge [sflag:s10], $0x2800  }
0x19: {  	[sflag:s10] =	ssyncset.done $0x0  }
0x1a: {  	[sflag:s10] =	ssyncadd.s32 $0xFFFFD800  }
0x1b: {  	[spmem:s13], [sflag:s12] =	dma.local [hbm:s7], $0x2800  }
0x1c: {  	_ =	swait.ge [sflag:s10], $0x2800  }
0x1d: {  	[sflag:s10] =	ssyncset.done $0x0  }
0x1e: {  	[sflag:s10] =	ssyncadd.s32 $0xFFFFD800  }
0x1f: {  	[bflag:$0x0] =	sbarrier.arrive $0xFFFF  }
0x20: {  	[tilespmem:s15], [sflag:$0x1] =	stream.indirect.gather [hbm4b:s4+s14], $0x80, s3, s14, $0xb8;
	[tilespmem:$0x1E000] =	vst v63  }
0x21: {  	_ = 	snop  }
0x22: {  	[tilespmem:s16], [sflag:$0x2] =	stream.indirect.gather [hbm4b:s4+s14], $0x80, s14, s14, $0xb8;
	[tilespmem:$0x1E000] =	vst v63  }
0x23: {  	_ = 	snop  }
0x24: {  	[tilespmem:s18], [sflag:$0x3] =	stream.indirect.gather [hbm4b:s4+s14], $0x80, s17, s14, $0xb8;
	[tilespmem:$0x1E000] =	vst v63  }
0x25: {  	_ = 	snop  }
0x26: {  	[tilespmem:s20], [sflag:$0x4] =	stream.indirect.gather [hbm4b:s4+s14], $0x80, s19, s14, $0xb8;
	[tilespmem:$0x1E000] =	vst v63  }
0x27: {  	_ =	swait.ge [sflag:s21], $0x1400  }
0x28: {  	[sflag:s21] =	ssyncset.done $0x0  }
0x29: {  	s1 =	simm.s32 $0x2800;
	[sflag:s21] =	ssyncadd.s32 $0xFFFFEC00  }
0x2a: {  	[spmem:s2] =	stream.indirect.scatter.add.f32 [tilespmem:s15], [sflag:$0x5], $0x80, s1, s14, $0xb8;
	[tilespmem:$0x1E000] =	vst v63  }
0x2b: {  	_ =	swait.ge [sflag:s10], $0x1400  }
0x2c: {  	[sflag:s10] =	ssyncset.done $0x0  }
0x2d: {  	s0 =	simm.s32 $0xA0;
	[sflag:s10] =	ssyncadd.s32 $0xFFFFEC00  }
0x2e: {  	[tilespmem:s15], [sflag:$0x1] =	stream.indirect.gather [hbm4b:s4+s14], $0x80, s0, s14, $0xb8;
	[tilespmem:$0x1E000] =	vst v63  }
0x2f: {  	_ =	swait.ge [sflag:s22], $0x1400  }
0x30: {  	[sflag:s22] =	ssyncset.done $0x0  }
0x31: {  	s0 =	simm.s32 $0x2828;
	[sflag:s22] =	ssyncadd.s32 $0xFFFFEC00  }
0x32: {  	[spmem:s2] =	stream.indirect.scatter.add.f32 [tilespmem:s16], [sflag:$0x5], $0x80, s0, s14, $0xb8;
	[tilespmem:$0x1E000] =	vst v63  }
0x33: {  	_ =	swait.ge [sflag:s10], $0x1400  }
0x34: {  	[sflag:s10] =	ssyncset.done $0x0  }
0x35: {  	s0 =	simm.s32 $0xC8;
	[sflag:s10] =	ssyncadd.s32 $0xFFFFEC00  }
0x36: {  	[tilespmem:s16], [sflag:$0x2] =	stream.indirect.gather [hbm4b:s4+s14], $0x80, s0, s14, $0xb8;
	[tilespmem:$0x1E000] =	vst v63  }
0x37: {  	_ =	swait.ge [sflag:s23], $0x1400  }
0x38: {  	[sflag:s23] =	ssyncset.done $0x0  }
0x39: {  	s0 =	simm.s32 $0x2850;
	[sflag:s23] =	ssyncadd.s32 $0xFFFFEC00  }
0x3a: {  	[spmem:s2] =	stream.indirect.scatter.add.f32 [tilespmem:s18], [sflag:$0x5], $0x80, s0, s14, $0xb8;
	[tilespmem:$0x1E000] =	vst v63  }
0x3b: {  	_ =	swait.ge [sflag:s10], $0x1400  }
0x3c: {  	[sflag:s10] =	ssyncset.done $0x0  }
0x3d: {  	s0 =	simm.s32 $0xF0;
	[sflag:s10] =	ssyncadd.s32 $0xFFFFEC00  }
0x3e: {  	[tilespmem:s18], [sflag:$0x3] =	stream.indirect.gather [hbm4b:s4+s14], $0x80, s0, s14, $0xb8;
	[tilespmem:$0x1E000] =	vst v63  }
0x3f: {  	_ =	swait.ge [sflag:s24], $0x1400  }
0x40: {  	[sflag:s24] =	ssyncset.done $0x0  }
0x41: {  	s0 =	simm.s32 $0x2878;
	[sflag:s24] =	ssyncadd.s32 $0xFFFFEC00  }
0x42: {  	[spmem:s2] =	stream.indirect.scatter.add.f32 [tilespmem:s20], [sflag:$0x5], $0x80, s0, s14, $0xb8;
	[tilespmem:$0x1E000] =	vst v63  }
0x43: {  	_ =	swait.ge [sflag:s10], $0x1400  }
0x44: {  	[sflag:s10] =	ssyncset.done $0x0  }
0x45: {  	s31 =	simm.s32 $0x280;
	s1 =	simm.s32 $0x118;
	[sflag:s10] =	ssyncadd.s32 $0xFFFFEC00  }
.LBB2_2:
0x46: {  	[tilespmem:s20], [sflag:$0x4] =	stream.indirect.gather [hbm4b:s4+s14], $0x80, s1, s14, $0xb8;
	[tilespmem:$0x1E000] =	vst v63  }
0x47: {  	s1 =	smov.u32 s31  }
0x48: {  	p0 =	sne.s32 s31, $0x9B00;
	s31 =	sadd.s32 $0x280, s31;
	_ =	swait.ge [sflag:s21], $0x1400  }
0x49: {  	s1 =	sshra.s32 s1, $0x2;
	[sflag:s21] =	ssyncset.done $0x0  }
0x4a: {  	s0 =	sadd.s32 $0x2800, s1;
	[sflag:s21] =	ssyncadd.s32 $0xFFFFEC00  }
0x4b: {  	[spmem:s2] =	stream.indirect.scatter.add.f32 [tilespmem:s15], [sflag:$0x5], $0x80, s0, s14, $0xb8;
	[tilespmem:$0x1E000] =	vst v63  }
0x4c: {  	_ =	swait.ge [sflag:s10], $0x1400  }
0x4d: {  	[sflag:s10] =	ssyncset.done $0x0  }
0x4e: {  	s0 =	sadd.s32 $0xA0, s1;
	[sflag:s10] =	ssyncadd.s32 $0xFFFFEC00  }
0x4f: {  	[tilespmem:s15], [sflag:$0x1] =	stream.indirect.gather [hbm4b:s4+s14], $0x80, s0, s14, $0xb8;
	[tilespmem:$0x1E000] =	vst v63  }
0x50: {  	_ =	swait.ge [sflag:s22], $0x1400  }
0x51: {  	[sflag:s22] =	ssyncset.done $0x0  }
0x52: {  	s0 =	sadd.s32 $0x2828, s1;
	[sflag:s22] =	ssyncadd.s32 $0xFFFFEC00  }
0x53: {  	[spmem:s2] =	stream.indirect.scatter.add.f32 [tilespmem:s16], [sflag:$0x5], $0x80, s0, s14, $0xb8;
	[tilespmem:$0x1E000] =	vst v63  }
0x54: {  	_ =	swait.ge [sflag:s10], $0x1400  }
0x55: {  	[sflag:s10] =	ssyncset.done $0x0  }
0x56: {  	s0 =	sadd.s32 $0xC8, s1;
	[sflag:s10] =	ssyncadd.s32 $0xFFFFEC00  }
0x57: {  	[tilespmem:s16], [sflag:$0x2] =	stream.indirect.gather [hbm4b:s4+s14], $0x80, s0, s14, $0xb8;
	[tilespmem:$0x1E000] =	vst v63  }
0x58: {  	_ =	swait.ge [sflag:s23], $0x1400  }
0x59: {  	[sflag:s23] =	ssyncset.done $0x0  }
0x5a: {  	s0 =	sadd.s32 $0x2850, s1;
	[sflag:s23] =	ssyncadd.s32 $0xFFFFEC00  }
0x5b: {  	[spmem:s2] =	stream.indirect.scatter.add.f32 [tilespmem:s18], [sflag:$0x5], $0x80, s0, s14, $0xb8;
	[tilespmem:$0x1E000] =	vst v63  }
0x5c: {  	_ =	swait.ge [sflag:s10], $0x1400  }
0x5d: {  	[sflag:s10] =	ssyncset.done $0x0  }
0x5e: {  	s0 =	sadd.s32 $0xF0, s1;
	[sflag:s10] =	ssyncadd.s32 $0xFFFFEC00  }
0x5f: {  	[tilespmem:s18], [sflag:$0x3] =	stream.indirect.gather [hbm4b:s4+s14], $0x80, s0, s14, $0xb8;
	[tilespmem:$0x1E000] =	vst v63  }
0x60: {  	_ =	swait.ge [sflag:s24], $0x1400  }
0x61: {  	[sflag:s24] =	ssyncset.done $0x0  }
.Ltmp0:
0x62: {  	s0 =	sadd.s32 $0x2878, s1;
	[sflag:s24] =	ssyncadd.s32 $0xFFFFEC00;
	(pc) =	sbr.rel @p0 .LBB2_2-.Ltmp0, $4  }
0x63: {  	[spmem:s2] =	stream.indirect.scatter.add.f32 [tilespmem:s20], [sflag:$0x5], $0x80, s0, s14, $0xb8;
	[tilespmem:$0x1E000] =	vst v63  }
0x64: {  	_ =	swait.ge [sflag:s10], $0x1400  }
0x65: {  	[sflag:s10] =	ssyncset.done $0x0  }
0x66: {  	s1 =	sadd.s32 $0x118, s1;
	[sflag:s10] =	ssyncadd.s32 $0xFFFFEC00  }
0x67: {  	[tilespmem:s20], [sflag:$0x4] =	stream.indirect.gather [hbm4b:s4+s14], $0x80, s1, s14, $0xb8;
	[tilespmem:$0x1E000] =	vst v63  }
0x68: {  	_ =	swait.ge [sflag:s21], $0x1400  }
0x69: {  	[sflag:s21] =	ssyncset.done $0x0  }
0x6a: {  	[sflag:s21] =	ssyncadd.s32 $0xFFFFEC00  }
0x6b: {  	[spmem:s2] =	stream.indirect.scatter.add.f32 [tilespmem:s15], [sflag:$0x5], $0x80, s25, s14, $0xb8;
	[tilespmem:$0x1E000] =	vst v63  }
0x6c: {  	_ =	swait.ge [sflag:s10], $0x1400  }
0x6d: {  	[sflag:s10] =	ssyncset.done $0x0  }
0x6e: {  	[sflag:s10] =	ssyncadd.s32 $0xFFFFEC00  }
0x6f: {  	_ =	swait.ge [sflag:s22], $0x1400  }
0x70: {  	[sflag:s22] =	ssyncset.done $0x0  }
0x71: {  	[sflag:s22] =	ssyncadd.s32 $0xFFFFEC00  }
0x72: {  	[spmem:s2] =	stream.indirect.scatter.add.f32 [tilespmem:s16], [sflag:$0x5], $0x80, s26, s14, $0xb8;
	[tilespmem:$0x1E000] =	vst v63  }
0x73: {  	_ =	swait.ge [sflag:s10], $0x1400  }
0x74: {  	[sflag:s10] =	ssyncset.done $0x0  }
0x75: {  	[sflag:s10] =	ssyncadd.s32 $0xFFFFEC00  }
0x76: {  	_ =	swait.ge [sflag:s23], $0x1400  }
0x77: {  	[sflag:s23] =	ssyncset.done $0x0  }
0x78: {  	[sflag:s23] =	ssyncadd.s32 $0xFFFFEC00  }
0x79: {  	[spmem:s2] =	stream.indirect.scatter.add.f32 [tilespmem:s18], [sflag:$0x5], $0x80, s28, s14, $0xb8;
	[tilespmem:$0x1E000] =	vst v63  }
0x7a: {  	_ =	swait.ge [sflag:s10], $0x1400  }
0x7b: {  	[sflag:s10] =	ssyncset.done $0x0  }
0x7c: {  	[sflag:s10] =	ssyncadd.s32 $0xFFFFEC00  }
0x7d: {  	_ =	swait.ge [sflag:s24], $0x1400  }
0x7e: {  	[sflag:s24] =	ssyncset.done $0x0  }
0x7f: {  	[sflag:s24] =	ssyncadd.s32 $0xFFFFEC00  }
0x80: {  	[spmem:s2] =	stream.indirect.scatter.add.f32 [tilespmem:s20], [sflag:$0x5], $0x80, s29, s14, $0xb8;
	[tilespmem:$0x1E000] =	vst v63  }
0x81: {  	_ =	swait.ge [sflag:s10], $0x1400  }
0x82: {  	s30 =	sadd.s32 $0x1, s30;
	[sflag:s10] =	ssyncset.done $0x0  }
0x83: {  	p0 =	sne.s32 s30, s9;
	[sflag:s10] =	ssyncadd.s32 $0xFFFFEC00  }
.Ltmp1:
0x84: {  	[bflag:$0x0] =	sbarrier.arrive $0xFFFF;
	(pc) =	sbr.rel @p0 .LBB2_1-.Ltmp1, $4  }
0x85: {  	[hbm:s8], [sflag:s12] =	dma.local [spmem:s13], $0x2800  }
0x86: {  	_ =	swait.ge [sflag:s10], $0x2800  }
0x87: {  	[sflag:s10] =	ssyncset.done $0x0  }
0x88: {  	[sflag:s10] =	ssyncadd.s32 $0xFFFFD800  }
0x89: {  	_ =	sfence.sel $0x180000  }
0x8a: {  	[bflag:$0x0] =	sbarrier.arrive $0xFFFF  }
0x8b: {  	_ =	strace $0x9000004A  }
0x8c: {  	s0 =	stileid.u32;
	[bflag:$0x2] =	sbarrier.arrive $0xFFFF  }
0x8d: {  	p0 =	sne.s32 s0, $0x0;
	s0 =	rddreg [dreg:$0x3]  }
0x8e: {  	s0 =	sadd.s32 @!p0 $0x100000, s0  }
0x8f: {  	[sflag:s0] =	ssyncadd.tile.s32 @!p0 $0x1;
	_ =	shalt  }
.Lfunc_end2:
_tile_overlayer_lowered:
.L_overlay_start_2:
0x90: {  	(tag) =	ssettag $0x2  }
0x91: {  	s0 =	rddreg [dreg:$0x0];
	s2 =	stileid.u32  }
0x92: {  	s1 =	rddreg [dreg:$0x1];
	p0 =	sne.s32 s2, $0x0  }
0x93: {  	s3 =	rddreg [dreg:$0x2];
	[bflag:$0x3] =	sbarrier.arrive $0xFFFF;
	s2 =	simm.s32 @!p0 $0x1C05  }
0x94: {  	[timem:s3], [sflag:s2] =	dma.local @!p0 [hbm:s0], s1  }
0x95: {  	s0 =	simm.s32 @!p0 $0x5  }
0x96: {  	_ =	swait.ge @!p0 [sflag:s0], s1  }
0x97: {  	s1 =	ssub.s32 @!p0 $0x0, s1;
	[sflag:s0] =	ssyncset.done @!p0 $0x0  }
0x98: {  	[sflag:s0] =	ssyncadd.s32 @!p0 s1  }
0x99: {  	[bflag:$0x3] =	sbarrier.arrive $0xFFFF  }
0x9a: {  	_ =	shalt  }

</sc_bundles>
